<compile_context>
chip_gen: v7x
topology: tpu7x:2x2x1
jax: 0.10.2.dev20260603
libtpu: 0.0.44.dev20260713+nightly
codegen_flags: <defaults>
</compile_context>

<pallas_src>
import functools

import jax
import jax.numpy as jnp
from jax import lax
from jax.experimental import pallas as pl
from jax.experimental.pallas import tpu as pltpu
from jax.experimental.pallas import tpu_sc as plsc

_NC = 2
_NS = 16
_NW = _NC * _NS
_L = 16
_C = 128


def _scatter_call(x, src, dst, zeros):
    n, d = x.shape
    n_pad = zeros.shape[0]
    e = src.shape[0]
    n_chunks = e // _C
    iters = (n_chunks + _NW - 1) // _NW
    rows_per_tile = n_pad // _NS
    mesh = plsc.VectorSubcoreMesh(core_axis_name="c", subcore_axis_name="s")

    @functools.partial(
        pl.kernel,
        out_type=jax.ShapeDtypeStruct((_NC, n_pad, d), jnp.float32),
        mesh=mesh,
        scratch_types=[
            pltpu.VMEM((_C,), jnp.int32),
            pltpu.VMEM((1, _C), jnp.int32),
            pltpu.VMEM((_C, d), jnp.float32),
            pltpu.VMEM_SHARED((n_pad, d), jnp.float32),
            pltpu.SemaphoreType.DMA,
        ],
    )
    def scatter_k(x_hbm, src_hbm, dst_hbm, zeros_hbm, s_out_hbm,
                  src_v, dst_v, rows_v, s_sh, sem):
        core = lax.axis_index("c")
        sub = lax.axis_index("s")
        wid = sub * _NC + core
        r0 = sub * rows_per_tile
        pltpu.sync_copy(zeros_hbm.at[pl.ds(r0, rows_per_tile)],
                        s_sh.at[pl.ds(r0, rows_per_tile)])
        plsc.subcore_barrier()

        def body(i, carry):
            cidx = wid + i * _NW

            @pl.when(cidx < n_chunks)
            def _():
                base = cidx * _C
                pltpu.sync_copy(src_hbm.at[pl.ds(base, _C)], src_v)
                pltpu.sync_copy(dst_hbm.at[pl.ds(base, _C)], dst_v.at[0])
                pltpu.async_copy(x_hbm.at[src_v], rows_v, sem).wait()
                pltpu.sync_copy(rows_v, s_sh.at[dst_v.at[0]], add=True)

            return carry

        lax.fori_loop(0, iters, body, 0)
        plsc.subcore_barrier()
        pltpu.sync_copy(s_sh.at[pl.ds(r0, rows_per_tile)],
                        s_out_hbm.at[core, pl.ds(r0, rows_per_tile)])

    return scatter_k(x, src, dst, zeros)


def _matmul_call(x, s_parts, w, b):
    n, d = x.shape
    dout = w.shape[1]
    bm = 1000

    def mm_body(x_ref, s_ref, w_ref, b_ref, y1_ref, y2_ref):
        wmat = w_ref[...]
        y1_ref[...] = (
            jnp.dot(x_ref[...], wmat[:d, :], preferred_element_type=jnp.float32)
            + b_ref[...]
        )
        s_sum = s_ref[0] + s_ref[1]
        y2_ref[...] = jnp.dot(s_sum, wmat[d:, :],
                              preferred_element_type=jnp.float32)

    return pl.pallas_call(
        mm_body,
        grid=(n // bm,),
        in_specs=[
            pl.BlockSpec((bm, d), lambda i: (i, 0)),
            pl.BlockSpec((_NC, bm, d), lambda i: (0, i, 0)),
            pl.BlockSpec((2 * d, dout), lambda i: (0, 0)),
            pl.BlockSpec((1, dout), lambda i: (0, 0)),
        ],
        out_specs=[
            pl.BlockSpec((bm, dout), lambda i: (i, 0)),
            pl.BlockSpec((bm, dout), lambda i: (i, 0)),
        ],
        out_shape=[
            jax.ShapeDtypeStruct((n, dout), jnp.float32),
            jax.ShapeDtypeStruct((n, dout), jnp.float32),
        ],
    )(x, s_parts, w, b.reshape(1, dout))


def _gather_call(y1, y2, src, dst):
    n, d = y1.shape
    e = src.shape[0]
    n_chunks = e // _C
    iters = (n_chunks + _NW - 1) // _NW
    mesh = plsc.VectorSubcoreMesh(core_axis_name="c", subcore_axis_name="s")

    @functools.partial(
        pl.kernel,
        out_type=jax.ShapeDtypeStruct((e, d), jnp.float32),
        mesh=mesh,
        scratch_types=[
            pltpu.VMEM((_C,), jnp.int32),
            pltpu.VMEM((_C,), jnp.int32),
            pltpu.VMEM((_C, d), jnp.float32),
            pltpu.VMEM((_C, d), jnp.float32),
            pltpu.SemaphoreType.DMA,
            pltpu.SemaphoreType.DMA,
        ],
    )
    def gather_k(y1_hbm, y2_hbm, src_hbm, dst_hbm, out_hbm,
                 src_v, dst_v, a_v, b_v, sem1, sem2):
        core = lax.axis_index("c")
        sub = lax.axis_index("s")
        wid = sub * _NC + core

        def body(i, carry):
            cidx = wid + i * _NW

            @pl.when(cidx < n_chunks)
            def _():
                base = cidx * _C
                pltpu.sync_copy(src_hbm.at[pl.ds(base, _C)], src_v)
                pltpu.sync_copy(dst_hbm.at[pl.ds(base, _C)], dst_v)
                cp1 = pltpu.async_copy(y1_hbm.at[src_v], a_v, sem1)
                cp2 = pltpu.async_copy(y2_hbm.at[dst_v], b_v, sem2)
                cp1.wait()
                cp2.wait()

                def add_row(r, c2):
                    for j in range(d // _L):
                        sl = pl.ds(j * _L, _L)
                        a_v[r, sl] = a_v[r, sl] + b_v[r, sl]
                    return c2

                lax.fori_loop(0, _C, add_row, 0)
                pltpu.sync_copy(a_v, out_hbm.at[pl.ds(base, _C)])

            return carry

        lax.fori_loop(0, iters, body, 0)

    return gather_k(y1, y2, src, dst)


def kernel(x, edge_index, W, b):
    src = edge_index[0].astype(jnp.int32)
    dst = edge_index[1].astype(jnp.int32)
    n, d = x.shape
    n_pad = ((n + 8 * _NS - 1) // (8 * _NS)) * (8 * _NS)
    zeros = jnp.zeros((n_pad, d), jnp.float32)
    s_parts = _scatter_call(x, src, dst, zeros)
    y1, y2 = _matmul_call(x, s_parts, W, b)
    return _gather_call(y1, y2, src, dst)

# --- scband reference (transcript-rebuilt; emitter-appended) ---
"""Pipeline reference for scband-convolutional-layer-1-p-v2-24507083391347 (READ-ONLY COPY).

The authoritative reference and input builder live on the scoring server;
editing this copy changes nothing except your own understanding.
"""

import jax, jax.numpy as jnp
import numpy as np

N_NODES = 10000
N_EDGES = 320000
D_IN = 128
D_OUT = 128


def setup_inputs(seed: int = 0) -> dict:
    key = jax.random.key(seed)
    k1, k2, k3 = jax.random.split(key, 3)
    x = jax.random.normal(k1, (N_NODES, D_IN), dtype=jnp.float32)
    edge_index = jax.random.randint(k2, (2, N_EDGES), 0, N_NODES, dtype=jnp.int64)
    # Linear: in = [1,2,5][incoming_order=1] * channels_in = 2*128, out = 128
    fan_in, fan_out = 2 * D_IN, D_OUT
    limit = float(np.sqrt(6.0 / (fan_in + fan_out)))  # xavier_uniform
    W = jax.random.uniform(k3, (fan_in, fan_out), minval=-limit, maxval=limit, dtype=jnp.float32)
    b = jnp.zeros((fan_out,), dtype=jnp.float32)
    return {"x": x, "edge_index": edge_index, "W": W, "b": b}


def reference(x, edge_index, W, b):
    # ptensors1 (singleton reference domains per node) -> transfer1 to target
    # domains = incoming neighborhoods N(v) defined by edge_index (dst-grouped).
    # transfer1 for order-1 ptensors yields 2 linmaps per atom row:
    #   (a) local copy of the intersecting source value      -> x[src]
    #   (b) broadcast of the sum over the target domain      -> segment_sum by dst
    # Output ptensors1 has one atom-row per (src, dst) incidence, nc = 2*channels_in,
    # followed by the Linear layer (reduction_type='sum').
    src = edge_index[0]
    dst = edge_index[1]
    gathered = jnp.take(x, src, axis=0)                       # [E, d] local values
    domain_sum = jax.ops.segment_sum(gathered, dst, num_segments=N_NODES)  # [N, d]
    broadcast = jnp.take(domain_sum, dst, axis=0)             # [E, d] sum over N(v)
    F = jnp.concatenate([gathered, broadcast], axis=1)        # [E, 2d]
    out = F @ W + b                                           # Linear
    return out

if __name__ == "__main__":
    import jax
    _d = setup_inputs()
    print(jax.jit(kernel)(*tuple(_d.values())))

</pallas_src>

<mosaic_0001>
#map = affine_map<(d0, d1) -> (0, 0)>
#map1 = affine_map<(d0, d1) -> (0)>
#map2 = affine_map<(d0, d1) -> (0, 0, 0)>
module attributes {stable_mosaic.version = 14 : i64} {
  func.func @scatter_k(%arg0: i32, %arg1: i32, %arg2: memref<10000x128xf32, #tpu.memory_space<hbm>>, %arg3: memref<320000xi32, #tpu.memory_space<hbm>>, %arg4: memref<320000xi32, #tpu.memory_space<hbm>>, %arg5: memref<10112x128xf32, #tpu.memory_space<hbm>>, %arg6: memref<2x10112x128xf32, #tpu.memory_space<hbm>>, %arg7: memref<128xi32, #tpu.memory_space<vmem>>, %arg8: memref<1x128xi32, #tpu.memory_space<vmem>>, %arg9: memref<128x128xf32, #tpu.memory_space<vmem>>, %arg10: memref<10112x128xf32, #tpu.memory_space<vmem_shared>>, %arg11: memref<!tpu.dma_semaphore, #tpu.memory_space<semaphore_mem>>) attributes {dimension_semantics = [#tpu.dimension_semantics<core_parallel>, #tpu.dimension_semantics<subcore_parallel>], iteration_bounds = array<i64: 2, 16>, scalar_prefetch = 0 : i64, scratch_operands = 5 : i64, tpu.core_type = #tpu.core_type<sc_vector_subcore>, window_params = [{transform_indices = #map}, {transform_indices = #map1}, {transform_indices = #map1}, {transform_indices = #map}, {transform_indices = #map2}]} {
    %mul3A = arith.constant 2 : i32
    %mul3A_0 = arith.muli %arg1, %mul3A : i32
    %add3A = arith.addi %mul3A_0, %arg0 : i32
    %mul3A_1 = arith.constant 632 : i32
    %mul3A_2 = arith.muli %arg1, %mul3A_1 : i32
    "tpu.region"() ({
      %run_scoped3A = tpu.sem_alloc : memref<!tpu.dma_semaphore, #tpu.memory_space<semaphore_mem>>
      %dma_start3A = arith.constant 0 : i32
      %dma_start3A_9 = tpu.memref_slice %arg10[%mul3A_2, %dma_start3A] : memref<10112x128xf32, #tpu.memory_space<vmem_shared>> -> memref<632x128xf32, #tpu.memory_space<vmem_shared>>
      %dma_start3A_10 = arith.constant 0 : i32
      %dma_start3A_11 = tpu.memref_slice %arg5[%mul3A_2, %dma_start3A_10] : memref<10112x128xf32, #tpu.memory_space<hbm>> -> memref<632x128xf32, #tpu.memory_space<hbm>>
      tpu.enqueue_dma source(%dma_start3A_11 : memref<632x128xf32, #tpu.memory_space<hbm>>) target(%dma_start3A_9 : memref<632x128xf32, #tpu.memory_space<vmem_shared>>) target_semaphore(%run_scoped3A : memref<!tpu.dma_semaphore, #tpu.memory_space<semaphore_mem>>)
      %dma_wait3A = arith.constant 0 : i32
      %dma_wait3A_12 = tpu.memref_slice %arg10[%mul3A_2, %dma_wait3A] : memref<10112x128xf32, #tpu.memory_space<vmem_shared>> -> memref<632x128xf32, #tpu.memory_space<vmem_shared>>
      %dma_wait3A_13 = arith.constant 0 : i32
      %dma_wait3A_14 = tpu.memref_slice %arg5[%mul3A_2, %dma_wait3A_13] : memref<10112x128xf32, #tpu.memory_space<hbm>> -> memref<632x128xf32, #tpu.memory_space<hbm>>
      tpu.wait_dma2 semaphore(%run_scoped3A : memref<!tpu.dma_semaphore, #tpu.memory_space<semaphore_mem>>) src(%dma_wait3A_14 : memref<632x128xf32, #tpu.memory_space<hbm>>) dst(%dma_wait3A_12 : memref<632x128xf32, #tpu.memory_space<vmem_shared>>)
      tpu.yield
    }) : () -> ()
    %barrier3A = arith.constant 0 : index
    tpu.barrier barrier_id(%barrier3A)
    %scan3A = arith.constant 0 : i32
    %scan3A_3 = arith.constant 0 : i32
    %scan3A_4 = arith.constant 79 : i32
    %scan3A_5 = arith.addi %scan3A_3, %scan3A_4 : i32
    %scan3A_6 = arith.constant 1 : i32
    scf.for %scan3A_9 = %scan3A_3 to %scan3A_5 step %scan3A_6  : i32 {
      %mul3A_10 = arith.constant 32 : i32
      %mul3A_11 = arith.muli %scan3A_9, %mul3A_10 : i32
      %add3A_12 = arith.addi %add3A, %mul3A_11 : i32
      %lt3A = arith.constant 2500 : i32
      %lt3A_13 = arith.cmpi slt, %add3A_12, %lt3A : i32
      %convert_element_type3A = arith.extui %lt3A_13 : i1 to i32
      %cond3A = arith.constant 0 : i32
      %cond3A_14 = arith.cmpi ne, %convert_element_type3A, %cond3A : i32
      scf.if %cond3A_14 {
        %mul3A_15 = arith.constant 128 : i32
        %mul3A_16 = arith.muli %add3A_12, %mul3A_15 : i32
        "tpu.region"() ({
          %run_scoped3A_22 = tpu.sem_alloc : memref<!tpu.dma_semaphore, #tpu.memory_space<semaphore_mem>>
          %dma_start3A_23 = tpu.memref_slice %arg3[%mul3A_16] : memref<320000xi32, #tpu.memory_space<hbm>> -> memref<128xi32, #tpu.memory_space<hbm>>
          %dma_start3A_24 = tpu.memref_slice %arg3[%mul3A_16] : memref<320000xi32, #tpu.memory_space<hbm>> -> memref<128xi32, #tpu.memory_space<hbm>>
          tpu.enqueue_dma source(%dma_start3A_24 : memref<128xi32, #tpu.memory_space<hbm>>) target(%arg7 : memref<128xi32, #tpu.memory_space<vmem>>) target_semaphore(%run_scoped3A_22 : memref<!tpu.dma_semaphore, #tpu.memory_space<semaphore_mem>>)
          %dma_wait3A_25 = tpu.memref_slice %arg3[%mul3A_16] : memref<320000xi32, #tpu.memory_space<hbm>> -> memref<128xi32, #tpu.memory_space<hbm>>
          %dma_wait3A_26 = tpu.memref_slice %arg3[%mul3A_16] : memref<320000xi32, #tpu.memory_space<hbm>> -> memref<128xi32, #tpu.memory_space<hbm>>
          tpu.wait_dma2 semaphore(%run_scoped3A_22 : memref<!tpu.dma_semaphore, #tpu.memory_space<semaphore_mem>>) src(%dma_wait3A_26 : memref<128xi32, #tpu.memory_space<hbm>>) dst(%arg7 : memref<128xi32, #tpu.memory_space<vmem>>)
          tpu.yield
        }) : () -> ()
        %run_scoped3A = arith.constant 0 : i32
        "tpu.region"() ({
          %run_scoped3A_22 = tpu.sem_alloc : memref<!tpu.dma_semaphore, #tpu.memory_space<semaphore_mem>>
          %dma_start3A_23 = arith.constant 0 : i32
          %dma_start3A_24 = tpu.memref_slice %arg8[%run_scoped3A, %dma_start3A_23] : memref<1x128xi32, #tpu.memory_space<vmem>> -> memref<1x128xi32, #tpu.memory_space<vmem>>
          %dma_start3A_25 = tpu.memref_squeeze %dma_start3A_24 : memref<1x128xi32, #tpu.memory_space<vmem>> -> memref<128xi32, #tpu.memory_space<vmem>>
          %dma_start3A_26 = tpu.memref_slice %arg4[%mul3A_16] : memref<320000xi32, #tpu.memory_space<hbm>> -> memref<128xi32, #tpu.memory_space<hbm>>
          %dma_start3A_27 = arith.constant 0 : i32
          %dma_start3A_28 = tpu.memref_slice %arg8[%run_scoped3A, %dma_start3A_27] : memref<1x128xi32, #tpu.memory_space<vmem>> -> memref<1x128xi32, #tpu.memory_space<vmem>>
          %dma_start3A_29 = tpu.memref_squeeze %dma_start3A_28 : memref<1x128xi32, #tpu.memory_space<vmem>> -> memref<128xi32, #tpu.memory_space<vmem>>
          %dma_start3A_30 = tpu.memref_slice %arg4[%mul3A_16] : memref<320000xi32, #tpu.memory_space<hbm>> -> memref<128xi32, #tpu.memory_space<hbm>>
          tpu.enqueue_dma source(%dma_start3A_30 : memref<128xi32, #tpu.memory_space<hbm>>) target(%dma_start3A_29 : memref<128xi32, #tpu.memory_space<vmem>>) target_semaphore(%run_scoped3A_22 : memref<!tpu.dma_semaphore, #tpu.memory_space<semaphore_mem>>)
          %dma_wait3A_31 = arith.constant 0 : i32
          %dma_wait3A_32 = tpu.memref_slice %arg8[%run_scoped3A, %dma_wait3A_31] : memref<1x128xi32, #tpu.memory_space<vmem>> -> memref<1x128xi32, #tpu.memory_space<vmem>>
          %dma_wait3A_33 = tpu.memref_squeeze %dma_wait3A_32 : memref<1x128xi32, #tpu.memory_space<vmem>> -> memref<128xi32, #tpu.memory_space<vmem>>
          %dma_wait3A_34 = tpu.memref_slice %arg4[%mul3A_16] : memref<320000xi32, #tpu.memory_space<hbm>> -> memref<128xi32, #tpu.memory_space<hbm>>
          %dma_wait3A_35 = arith.constant 0 : i32
          %dma_wait3A_36 = tpu.memref_slice %arg8[%run_scoped3A, %dma_wait3A_35] : memref<1x128xi32, #tpu.memory_space<vmem>> -> memref<1x128xi32, #tpu.memory_space<vmem>>
          %dma_wait3A_37 = tpu.memref_squeeze %dma_wait3A_36 : memref<1x128xi32, #tpu.memory_space<vmem>> -> memref<128xi32, #tpu.memory_space<vmem>>
          %dma_wait3A_38 = tpu.memref_slice %arg4[%mul3A_16] : memref<320000xi32, #tpu.memory_space<hbm>> -> memref<128xi32, #tpu.memory_space<hbm>>
          tpu.wait_dma2 semaphore(%run_scoped3A_22 : memref<!tpu.dma_semaphore, #tpu.memory_space<semaphore_mem>>) src(%dma_wait3A_38 : memref<128xi32, #tpu.memory_space<hbm>>) dst(%dma_wait3A_37 : memref<128xi32, #tpu.memory_space<vmem>>)
          tpu.yield
        }) : () -> ()
        %dma_start3A = arith.constant 0 : i32
        %dma_start3A_17 = arith.constant 0 : i32
        %dma_start3A_18 = tpu.memref_slice %arg2[%dma_start3A, %dma_start3A_17] : memref<10000x128xf32, #tpu.memory_space<hbm>> -> memref<10000x128xf32, #tpu.memory_space<hbm>>
        tpu.enqueue_indirect_dma source(%dma_start3A_18 : memref<10000x128xf32, #tpu.memory_space<hbm>>) target(%arg9 : memref<128x128xf32, #tpu.memory_space<vmem>>) offsets(%arg7 : memref<128xi32, #tpu.memory_space<vmem>>) semaphore(%arg11 : memref<!tpu.dma_semaphore, #tpu.memory_space<semaphore_mem>>)
        %dma_wait3A = arith.constant 0 : i32
        %dma_wait3A_19 = arith.constant 0 : i32
        %dma_wait3A_20 = tpu.memref_slice %arg2[%dma_wait3A, %dma_wait3A_19] : memref<10000x128xf32, #tpu.memory_space<hbm>> -> memref<10000x128xf32, #tpu.memory_space<hbm>>
        tpu.wait_indirect_dma semaphore(%arg11 : memref<!tpu.dma_semaphore, #tpu.memory_space<semaphore_mem>>) src(%dma_wait3A_20 : memref<10000x128xf32, #tpu.memory_space<hbm>>) dst(%arg9 : memref<128x128xf32, #tpu.memory_space<vmem>>)
        %run_scoped3A_21 = arith.constant 0 : i32
        "tpu.region"() ({
          %run_scoped3A_22 = tpu.sem_alloc : memref<!tpu.dma_semaphore, #tpu.memory_space<semaphore_mem>>
          %dma_start3A_23 = arith.constant 0 : i32
          %dma_start3A_24 = tpu.memref_slice %arg8[%run_scoped3A_21, %dma_start3A_23] : memref<1x128xi32, #tpu.memory_space<vmem>> -> memref<1x128xi32, #tpu.memory_space<vmem>>
          %dma_start3A_25 = tpu.memref_squeeze %dma_start3A_24 : memref<1x128xi32, #tpu.memory_space<vmem>> -> memref<128xi32, #tpu.memory_space<vmem>>
          %dma_start3A_26 = arith.constant 0 : i32
          %dma_start3A_27 = arith.constant 0 : i32
          %dma_start3A_28 = tpu.memref_slice %arg10[%dma_start3A_26, %dma_start3A_27] : memref<10112x128xf32, #tpu.memory_space<vmem_shared>> -> memref<10112x128xf32, #tpu.memory_space<vmem_shared>>
          tpu.enqueue_indirect_dma source(%arg9 : memref<128x128xf32, #tpu.memory_space<vmem>>) target(%dma_start3A_28 : memref<10112x128xf32, #tpu.memory_space<vmem_shared>>) offsets(%dma_start3A_25 : memref<128xi32, #tpu.memory_space<vmem>>) semaphore(%run_scoped3A_22 : memref<!tpu.dma_semaphore, #tpu.memory_space<semaphore_mem>>) {add = true}
          %dma_wait3A_29 = arith.constant 0 : i32
          %dma_wait3A_30 = tpu.memref_slice %arg8[%run_scoped3A_21, %dma_wait3A_29] : memref<1x128xi32, #tpu.memory_space<vmem>> -> memref<1x128xi32, #tpu.memory_space<vmem>>
          %dma_wait3A_31 = tpu.memref_squeeze %dma_wait3A_30 : memref<1x128xi32, #tpu.memory_space<vmem>> -> memref<128xi32, #tpu.memory_space<vmem>>
          %dma_wait3A_32 = arith.constant 0 : i32
          %dma_wait3A_33 = arith.constant 0 : i32
          %dma_wait3A_34 = tpu.memref_slice %arg10[%dma_wait3A_32, %dma_wait3A_33] : memref<10112x128xf32, #tpu.memory_space<vmem_shared>> -> memref<10112x128xf32, #tpu.memory_space<vmem_shared>>
          tpu.wait_indirect_dma semaphore(%run_scoped3A_22 : memref<!tpu.dma_semaphore, #tpu.memory_space<semaphore_mem>>) src(%arg9 : memref<128x128xf32, #tpu.memory_space<vmem>>) dst(%dma_wait3A_34 : memref<10112x128xf32, #tpu.memory_space<vmem_shared>>)
          tpu.yield
        }) : () -> ()
      } else {
      }
    }
    %scan3A_7 = arith.constant 79 : i32
    %barrier3A_8 = arith.constant 0 : index
    tpu.barrier barrier_id(%barrier3A_8)
    "tpu.region"() ({
      %run_scoped3A = tpu.sem_alloc : memref<!tpu.dma_semaphore, #tpu.memory_space<semaphore_mem>>
      %dma_start3A = arith.constant 0 : i32
      %dma_start3A_9 = tpu.memref_slice %arg6[%arg0, %mul3A_2, %dma_start3A] : memref<2x10112x128xf32, #tpu.memory_space<hbm>> -> memref<1x632x128xf32, #tpu.memory_space<hbm>>
      %dma_start3A_10 = tpu.memref_squeeze %dma_start3A_9 : memref<1x632x128xf32, #tpu.memory_space<hbm>> -> memref<632x128xf32, #tpu.memory_space<hbm>>
      %dma_start3A_11 = arith.constant 0 : i32
      %dma_start3A_12 = tpu.memref_slice %arg10[%mul3A_2, %dma_start3A_11] : memref<10112x128xf32, #tpu.memory_space<vmem_shared>> -> memref<632x128xf32, #tpu.memory_space<vmem_shared>>
      tpu.enqueue_dma source(%dma_start3A_12 : memref<632x128xf32, #tpu.memory_space<vmem_shared>>) target(%dma_start3A_10 : memref<632x128xf32, #tpu.memory_space<hbm>>) target_semaphore(%run_scoped3A : memref<!tpu.dma_semaphore, #tpu.memory_space<semaphore_mem>>)
      %dma_wait3A = arith.constant 0 : i32
      %dma_wait3A_13 = tpu.memref_slice %arg6[%arg0, %mul3A_2, %dma_wait3A] : memref<2x10112x128xf32, #tpu.memory_space<hbm>> -> memref<1x632x128xf32, #tpu.memory_space<hbm>>
      %dma_wait3A_14 = tpu.memref_squeeze %dma_wait3A_13 : memref<1x632x128xf32, #tpu.memory_space<hbm>> -> memref<632x128xf32, #tpu.memory_space<hbm>>
      %dma_wait3A_15 = arith.constant 0 : i32
      %dma_wait3A_16 = tpu.memref_slice %arg10[%mul3A_2, %dma_wait3A_15] : memref<10112x128xf32, #tpu.memory_space<vmem_shared>> -> memref<632x128xf32, #tpu.memory_space<vmem_shared>>
      tpu.wait_dma2 semaphore(%run_scoped3A : memref<!tpu.dma_semaphore, #tpu.memory_space<semaphore_mem>>) src(%dma_wait3A_16 : memref<632x128xf32, #tpu.memory_space<vmem_shared>>) dst(%dma_wait3A_14 : memref<632x128xf32, #tpu.memory_space<hbm>>)
      tpu.yield
    }) : () -> ()
    return
  }
}

#map = affine_map<(d0, d1) -> (0, 0)>
#map1 = affine_map<(d0, d1) -> (0)>
module attributes {stable_mosaic.version = 14 : i64} {
  func.func @gather_k(%arg0: i32, %arg1: i32, %arg2: memref<10000x128xf32, #tpu.memory_space<hbm>>, %arg3: memref<10000x128xf32, #tpu.memory_space<hbm>>, %arg4: memref<320000xi32, #tpu.memory_space<hbm>>, %arg5: memref<320000xi32, #tpu.memory_space<hbm>>, %arg6: memref<320000x128xf32, #tpu.memory_space<hbm>>, %arg7: memref<128xi32, #tpu.memory_space<vmem>>, %arg8: memref<128xi32, #tpu.memory_space<vmem>>, %arg9: memref<128x128xf32, #tpu.memory_space<vmem>>, %arg10: memref<128x128xf32, #tpu.memory_space<vmem>>, %arg11: memref<!tpu.dma_semaphore, #tpu.memory_space<semaphore_mem>>, %arg12: memref<!tpu.dma_semaphore, #tpu.memory_space<semaphore_mem>>) attributes {dimension_semantics = [#tpu.dimension_semantics<core_parallel>, #tpu.dimension_semantics<subcore_parallel>], iteration_bounds = array<i64: 2, 16>, scalar_prefetch = 0 : i64, scratch_operands = 6 : i64, tpu.core_type = #tpu.core_type<sc_vector_subcore>, window_params = [{transform_indices = #map}, {transform_indices = #map}, {transform_indices = #map1}, {transform_indices = #map1}, {transform_indices = #map}]} {
    %mul3A = arith.constant 2 : i32
    %mul3A_0 = arith.muli %arg1, %mul3A : i32
    %add3A = arith.addi %mul3A_0, %arg0 : i32
    %scan3A = arith.constant 0 : i32
    %scan3A_1 = arith.constant 0 : i32
    %scan3A_2 = arith.constant 79 : i32
    %scan3A_3 = arith.addi %scan3A_1, %scan3A_2 : i32
    %scan3A_4 = arith.constant 1 : i32
    scf.for %scan3A_6 = %scan3A_1 to %scan3A_3 step %scan3A_4  : i32 {
      %mul3A_7 = arith.constant 32 : i32
      %mul3A_8 = arith.muli %scan3A_6, %mul3A_7 : i32
      %add3A_9 = arith.addi %add3A, %mul3A_8 : i32
      %lt3A = arith.constant 2500 : i32
      %lt3A_10 = arith.cmpi slt, %add3A_9, %lt3A : i32
      %convert_element_type3A = arith.extui %lt3A_10 : i1 to i32
      %cond3A = arith.constant 0 : i32
      %cond3A_11 = arith.cmpi ne, %convert_element_type3A, %cond3A : i32
      scf.if %cond3A_11 {
        %mul3A_12 = arith.constant 128 : i32
        %mul3A_13 = arith.muli %add3A_9, %mul3A_12 : i32
        "tpu.region"() ({
          %run_scoped3A = tpu.sem_alloc : memref<!tpu.dma_semaphore, #tpu.memory_space<semaphore_mem>>
          %dma_start3A_30 = tpu.memref_slice %arg4[%mul3A_13] : memref<320000xi32, #tpu.memory_space<hbm>> -> memref<128xi32, #tpu.memory_space<hbm>>
          %dma_start3A_31 = tpu.memref_slice %arg4[%mul3A_13] : memref<320000xi32, #tpu.memory_space<hbm>> -> memref<128xi32, #tpu.memory_space<hbm>>
          tpu.enqueue_dma source(%dma_start3A_31 : memref<128xi32, #tpu.memory_space<hbm>>) target(%arg7 : memref<128xi32, #tpu.memory_space<vmem>>) target_semaphore(%run_scoped3A : memref<!tpu.dma_semaphore, #tpu.memory_space<semaphore_mem>>)
          %dma_wait3A_32 = tpu.memref_slice %arg4[%mul3A_13] : memref<320000xi32, #tpu.memory_space<hbm>> -> memref<128xi32, #tpu.memory_space<hbm>>
          %dma_wait3A_33 = tpu.memref_slice %arg4[%mul3A_13] : memref<320000xi32, #tpu.memory_space<hbm>> -> memref<128xi32, #tpu.memory_space<hbm>>
          tpu.wait_dma2 semaphore(%run_scoped3A : memref<!tpu.dma_semaphore, #tpu.memory_space<semaphore_mem>>) src(%dma_wait3A_33 : memref<128xi32, #tpu.memory_space<hbm>>) dst(%arg7 : memref<128xi32, #tpu.memory_space<vmem>>)
          tpu.yield
        }) : () -> ()
        "tpu.region"() ({
          %run_scoped3A = tpu.sem_alloc : memref<!tpu.dma_semaphore, #tpu.memory_space<semaphore_mem>>
          %dma_start3A_30 = tpu.memref_slice %arg5[%mul3A_13] : memref<320000xi32, #tpu.memory_space<hbm>> -> memref<128xi32, #tpu.memory_space<hbm>>
          %dma_start3A_31 = tpu.memref_slice %arg5[%mul3A_13] : memref<320000xi32, #tpu.memory_space<hbm>> -> memref<128xi32, #tpu.memory_space<hbm>>
          tpu.enqueue_dma source(%dma_start3A_31 : memref<128xi32, #tpu.memory_space<hbm>>) target(%arg8 : memref<128xi32, #tpu.memory_space<vmem>>) target_semaphore(%run_scoped3A : memref<!tpu.dma_semaphore, #tpu.memory_space<semaphore_mem>>)
          %dma_wait3A_32 = tpu.memref_slice %arg5[%mul3A_13] : memref<320000xi32, #tpu.memory_space<hbm>> -> memref<128xi32, #tpu.memory_space<hbm>>
          %dma_wait3A_33 = tpu.memref_slice %arg5[%mul3A_13] : memref<320000xi32, #tpu.memory_space<hbm>> -> memref<128xi32, #tpu.memory_space<hbm>>
          tpu.wait_dma2 semaphore(%run_scoped3A : memref<!tpu.dma_semaphore, #tpu.memory_space<semaphore_mem>>) src(%dma_wait3A_33 : memref<128xi32, #tpu.memory_space<hbm>>) dst(%arg8 : memref<128xi32, #tpu.memory_space<vmem>>)
          tpu.yield
        }) : () -> ()
        %dma_start3A = arith.constant 0 : i32
        %dma_start3A_14 = arith.constant 0 : i32
        %dma_start3A_15 = tpu.memref_slice %arg2[%dma_start3A, %dma_start3A_14] : memref<10000x128xf32, #tpu.memory_space<hbm>> -> memref<10000x128xf32, #tpu.memory_space<hbm>>
        tpu.enqueue_indirect_dma source(%dma_start3A_15 : memref<10000x128xf32, #tpu.memory_space<hbm>>) target(%arg9 : memref<128x128xf32, #tpu.memory_space<vmem>>) offsets(%arg7 : memref<128xi32, #tpu.memory_space<vmem>>) semaphore(%arg11 : memref<!tpu.dma_semaphore, #tpu.memory_space<semaphore_mem>>)
        %dma_start3A_16 = arith.constant 0 : i32
        %dma_start3A_17 = arith.constant 0 : i32
        %dma_start3A_18 = tpu.memref_slice %arg3[%dma_start3A_16, %dma_start3A_17] : memref<10000x128xf32, #tpu.memory_space<hbm>> -> memref<10000x128xf32, #tpu.memory_space<hbm>>
        tpu.enqueue_indirect_dma source(%dma_start3A_18 : memref<10000x128xf32, #tpu.memory_space<hbm>>) target(%arg10 : memref<128x128xf32, #tpu.memory_space<vmem>>) offsets(%arg8 : memref<128xi32, #tpu.memory_space<vmem>>) semaphore(%arg12 : memref<!tpu.dma_semaphore, #tpu.memory_space<semaphore_mem>>)
        %dma_wait3A = arith.constant 0 : i32
        %dma_wait3A_19 = arith.constant 0 : i32
        %dma_wait3A_20 = tpu.memref_slice %arg2[%dma_wait3A, %dma_wait3A_19] : memref<10000x128xf32, #tpu.memory_space<hbm>> -> memref<10000x128xf32, #tpu.memory_space<hbm>>
        tpu.wait_indirect_dma semaphore(%arg11 : memref<!tpu.dma_semaphore, #tpu.memory_space<semaphore_mem>>) src(%dma_wait3A_20 : memref<10000x128xf32, #tpu.memory_space<hbm>>) dst(%arg9 : memref<128x128xf32, #tpu.memory_space<vmem>>)
        %dma_wait3A_21 = arith.constant 0 : i32
        %dma_wait3A_22 = arith.constant 0 : i32
        %dma_wait3A_23 = tpu.memref_slice %arg3[%dma_wait3A_21, %dma_wait3A_22] : memref<10000x128xf32, #tpu.memory_space<hbm>> -> memref<10000x128xf32, #tpu.memory_space<hbm>>
        tpu.wait_indirect_dma semaphore(%arg12 : memref<!tpu.dma_semaphore, #tpu.memory_space<semaphore_mem>>) src(%dma_wait3A_23 : memref<10000x128xf32, #tpu.memory_space<hbm>>) dst(%arg10 : memref<128x128xf32, #tpu.memory_space<vmem>>)
        %scan3A_24 = arith.constant 0 : i32
        %scan3A_25 = arith.constant 0 : i32
        %scan3A_26 = arith.constant 128 : i32
        %scan3A_27 = arith.addi %scan3A_25, %scan3A_26 : i32
        %scan3A_28 = arith.constant 1 : i32
        scf.for %scan3A_30 = %scan3A_25 to %scan3A_27 step %scan3A_28  : i32 {
          %get3A = arith.index_cast %scan3A_30 : i32 to index
          %get3A_31 = arith.constant 0 : index
          %get3A_32 = tpu.vector_load %arg9[%get3A, %get3A_31] {strides = array<i32>} : memref<128x128xf32, #tpu.memory_space<vmem>>, vector<1x16xf32>,
          %get3A_33 = vector.shape_cast %get3A_32 : vector<1x16xf32> to vector<16xf32>
          %get3A_34 = arith.index_cast %scan3A_30 : i32 to index
          %get3A_35 = arith.constant 0 : index
          %get3A_36 = tpu.vector_load %arg10[%get3A_34, %get3A_35] {strides = array<i32>} : memref<128x128xf32, #tpu.memory_space<vmem>>, vector<1x16xf32>,
          %get3A_37 = vector.shape_cast %get3A_36 : vector<1x16xf32> to vector<16xf32>
          %add3A_38 = arith.addf %get3A_33, %get3A_37 : vector<16xf32>
          %swap3A = arith.index_cast %scan3A_30 : i32 to index
          %swap3A_39 = arith.constant 0 : index
          %swap3A_40 = tpu.vector_load %arg9[%swap3A, %swap3A_39] {strides = array<i32>} : memref<128x128xf32, #tpu.memory_space<vmem>>, vector<1x16xf32>,
          %swap3A_41 = vector.shape_cast %swap3A_40 : vector<1x16xf32> to vector<16xf32>
          %swap3A_42 = vector.shape_cast %add3A_38 : vector<16xf32> to vector<1x16xf32>
          tpu.vector_store %arg9[%swap3A, %swap3A_39], %swap3A_42 {strides = array<i32>} : memref<128x128xf32, #tpu.memory_space<vmem>>, vector<1x16xf32>,
          %get3A_43 = arith.index_cast %scan3A_30 : i32 to index
          %get3A_44 = arith.constant 16 : index
          %get3A_45 = tpu.vector_load %arg9[%get3A_43, %get3A_44] {strides = array<i32>} : memref<128x128xf32, #tpu.memory_space<vmem>>, vector<1x16xf32>,
          %get3A_46 = vector.shape_cast %get3A_45 : vector<1x16xf32> to vector<16xf32>
          %get3A_47 = arith.index_cast %scan3A_30 : i32 to index
          %get3A_48 = arith.constant 16 : index
          %get3A_49 = tpu.vector_load %arg10[%get3A_47, %get3A_48] {strides = array<i32>} : memref<128x128xf32, #tpu.memory_space<vmem>>, vector<1x16xf32>,
          %get3A_50 = vector.shape_cast %get3A_49 : vector<1x16xf32> to vector<16xf32>
          %add3A_51 = arith.addf %get3A_46, %get3A_50 : vector<16xf32>
          %swap3A_52 = arith.index_cast %scan3A_30 : i32 to index
          %swap3A_53 = arith.constant 16 : index
          %swap3A_54 = tpu.vector_load %arg9[%swap3A_52, %swap3A_53] {strides = array<i32>} : memref<128x128xf32, #tpu.memory_space<vmem>>, vector<1x16xf32>,
          %swap3A_55 = vector.shape_cast %swap3A_54 : vector<1x16xf32> to vector<16xf32>
          %swap3A_56 = vector.shape_cast %add3A_51 : vector<16xf32> to vector<1x16xf32>
          tpu.vector_store %arg9[%swap3A_52, %swap3A_53], %swap3A_56 {strides = array<i32>} : memref<128x128xf32, #tpu.memory_space<vmem>>, vector<1x16xf32>,
          %get3A_57 = arith.index_cast %scan3A_30 : i32 to index
          %get3A_58 = arith.constant 32 : index
          %get3A_59 = tpu.vector_load %arg9[%get3A_57, %get3A_58] {strides = array<i32>} : memref<128x128xf32, #tpu.memory_space<vmem>>, vector<1x16xf32>,
          %get3A_60 = vector.shape_cast %get3A_59 : vector<1x16xf32> to vector<16xf32>
          %get3A_61 = arith.index_cast %scan3A_30 : i32 to index
          %get3A_62 = arith.constant 32 : index
          %get3A_63 = tpu.vector_load %arg10[%get3A_61, %get3A_62] {strides = array<i32>} : memref<128x128xf32, #tpu.memory_space<vmem>>, vector<1x16xf32>,
          %get3A_64 = vector.shape_cast %get3A_63 : vector<1x16xf32> to vector<16xf32>
          %add3A_65 = arith.addf %get3A_60, %get3A_64 : vector<16xf32>
          %swap3A_66 = arith.index_cast %scan3A_30 : i32 to index
          %swap3A_67 = arith.constant 32 : index
          %swap3A_68 = tpu.vector_load %arg9[%swap3A_66, %swap3A_67] {strides = array<i32>} : memref<128x128xf32, #tpu.memory_space<vmem>>, vector<1x16xf32>,
          %swap3A_69 = vector.shape_cast %swap3A_68 : vector<1x16xf32> to vector<16xf32>
          %swap3A_70 = vector.shape_cast %add3A_65 : vector<16xf32> to vector<1x16xf32>
          tpu.vector_store %arg9[%swap3A_66, %swap3A_67], %swap3A_70 {strides = array<i32>} : memref<128x128xf32, #tpu.memory_space<vmem>>, vector<1x16xf32>,
          %get3A_71 = arith.index_cast %scan3A_30 : i32 to index
          %get3A_72 = arith.constant 48 : index
          %get3A_73 = tpu.vector_load %arg9[%get3A_71, %get3A_72] {strides = array<i32>} : memref<128x128xf32, #tpu.memory_space<vmem>>, vector<1x16xf32>,
          %get3A_74 = vector.shape_cast %get3A_73 : vector<1x16xf32> to vector<16xf32>
          %get3A_75 = arith.index_cast %scan3A_30 : i32 to index
          %get3A_76 = arith.constant 48 : index
          %get3A_77 = tpu.vector_load %arg10[%get3A_75, %get3A_76] {strides = array<i32>} : memref<128x128xf32, #tpu.memory_space<vmem>>, vector<1x16xf32>,
          %get3A_78 = vector.shape_cast %get3A_77 : vector<1x16xf32> to vector<16xf32>
          %add3A_79 = arith.addf %get3A_74, %get3A_78 : vector<16xf32>
          %swap3A_80 = arith.index_cast %scan3A_30 : i32 to index
          %swap3A_81 = arith.constant 48 : index
          %swap3A_82 = tpu.vector_load %arg9[%swap3A_80, %swap3A_81] {strides = array<i32>} : memref<128x128xf32, #tpu.memory_space<vmem>>, vector<1x16xf32>,
          %swap3A_83 = vector.shape_cast %swap3A_82 : vector<1x16xf32> to vector<16xf32>
          %swap3A_84 = vector.shape_cast %add3A_79 : vector<16xf32> to vector<1x16xf32>
          tpu.vector_store %arg9[%swap3A_80, %swap3A_81], %swap3A_84 {strides = array<i32>} : memref<128x128xf32, #tpu.memory_space<vmem>>, vector<1x16xf32>,
          %get3A_85 = arith.index_cast %scan3A_30 : i32 to index
          %get3A_86 = arith.constant 64 : index
          %get3A_87 = tpu.vector_load %arg9[%get3A_85, %get3A_86] {strides = array<i32>} : memref<128x128xf32, #tpu.memory_space<vmem>>, vector<1x16xf32>,
          %get3A_88 = vector.shape_cast %get3A_87 : vector<1x16xf32> to vector<16xf32>
          %get3A_89 = arith.index_cast %scan3A_30 : i32 to index
          %get3A_90 = arith.constant 64 : index
          %get3A_91 = tpu.vector_load %arg10[%get3A_89, %get3A_90] {strides = array<i32>} : memref<128x128xf32, #tpu.memory_space<vmem>>, vector<1x16xf32>,
          %get3A_92 = vector.shape_cast %get3A_91 : vector<1x16xf32> to vector<16xf32>
          %add3A_93 = arith.addf %get3A_88, %get3A_92 : vector<16xf32>
          %swap3A_94 = arith.index_cast %scan3A_30 : i32 to index
          %swap3A_95 = arith.constant 64 : index
          %swap3A_96 = tpu.vector_load %arg9[%swap3A_94, %swap3A_95] {strides = array<i32>} : memref<128x128xf32, #tpu.memory_space<vmem>>, vector<1x16xf32>,
          %swap3A_97 = vector.shape_cast %swap3A_96 : vector<1x16xf32> to vector<16xf32>
          %swap3A_98 = vector.shape_cast %add3A_93 : vector<16xf32> to vector<1x16xf32>
          tpu.vector_store %arg9[%swap3A_94, %swap3A_95], %swap3A_98 {strides = array<i32>} : memref<128x128xf32, #tpu.memory_space<vmem>>, vector<1x16xf32>,
          %get3A_99 = arith.index_cast %scan3A_30 : i32 to index
          %get3A_100 = arith.constant 80 : index
          %get3A_101 = tpu.vector_load %arg9[%get3A_99, %get3A_100] {strides = array<i32>} : memref<128x128xf32, #tpu.memory_space<vmem>>, vector<1x16xf32>,
          %get3A_102 = vector.shape_cast %get3A_101 : vector<1x16xf32> to vector<16xf32>
          %get3A_103 = arith.index_cast %scan3A_30 : i32 to index
          %get3A_104 = arith.constant 80 : index
          %get3A_105 = tpu.vector_load %arg10[%get3A_103, %get3A_104] {strides = array<i32>} : memref<128x128xf32, #tpu.memory_space<vmem>>, vector<1x16xf32>,
          %get3A_106 = vector.shape_cast %get3A_105 : vector<1x16xf32> to vector<16xf32>
          %add3A_107 = arith.addf %get3A_102, %get3A_106 : vector<16xf32>
          %swap3A_108 = arith.index_cast %scan3A_30 : i32 to index
          %swap3A_109 = arith.constant 80 : index
          %swap3A_110 = tpu.vector_load %arg9[%swap3A_108, %swap3A_109] {strides = array<i32>} : memref<128x128xf32, #tpu.memory_space<vmem>>, vector<1x16xf32>,
          %swap3A_111 = vector.shape_cast %swap3A_110 : vector<1x16xf32> to vector<16xf32>
          %swap3A_112 = vector.shape_cast %add3A_107 : vector<16xf32> to vector<1x16xf32>
          tpu.vector_store %arg9[%swap3A_108, %swap3A_109], %swap3A_112 {strides = array<i32>} : memref<128x128xf32, #tpu.memory_space<vmem>>, vector<1x16xf32>,
          %get3A_113 = arith.index_cast %scan3A_30 : i32 to index
          %get3A_114 = arith.constant 96 : index
          %get3A_115 = tpu.vector_load %arg9[%get3A_113, %get3A_114] {strides = array<i32>} : memref<128x128xf32, #tpu.memory_space<vmem>>, vector<1x16xf32>,
          %get3A_116 = vector.shape_cast %get3A_115 : vector<1x16xf32> to vector<16xf32>
          %get3A_117 = arith.index_cast %scan3A_30 : i32 to index
          %get3A_118 = arith.constant 96 : index
          %get3A_119 = tpu.vector_load %arg10[%get3A_117, %get3A_118] {strides = array<i32>} : memref<128x128xf32, #tpu.memory_space<vmem>>, vector<1x16xf32>,
          %get3A_120 = vector.shape_cast %get3A_119 : vector<1x16xf32> to vector<16xf32>
          %add3A_121 = arith.addf %get3A_116, %get3A_120 : vector<16xf32>
          %swap3A_122 = arith.index_cast %scan3A_30 : i32 to index
          %swap3A_123 = arith.constant 96 : index
          %swap3A_124 = tpu.vector_load %arg9[%swap3A_122, %swap3A_123] {strides = array<i32>} : memref<128x128xf32, #tpu.memory_space<vmem>>, vector<1x16xf32>,
          %swap3A_125 = vector.shape_cast %swap3A_124 : vector<1x16xf32> to vector<16xf32>
          %swap3A_126 = vector.shape_cast %add3A_121 : vector<16xf32> to vector<1x16xf32>
          tpu.vector_store %arg9[%swap3A_122, %swap3A_123], %swap3A_126 {strides = array<i32>} : memref<128x128xf32, #tpu.memory_space<vmem>>, vector<1x16xf32>,
          %get3A_127 = arith.index_cast %scan3A_30 : i32 to index
          %get3A_128 = arith.constant 112 : index
          %get3A_129 = tpu.vector_load %arg9[%get3A_127, %get3A_128] {strides = array<i32>} : memref<128x128xf32, #tpu.memory_space<vmem>>, vector<1x16xf32>,
          %get3A_130 = vector.shape_cast %get3A_129 : vector<1x16xf32> to vector<16xf32>
          %get3A_131 = arith.index_cast %scan3A_30 : i32 to index
          %get3A_132 = arith.constant 112 : index
          %get3A_133 = tpu.vector_load %arg10[%get3A_131, %get3A_132] {strides = array<i32>} : memref<128x128xf32, #tpu.memory_space<vmem>>, vector<1x16xf32>,
          %get3A_134 = vector.shape_cast %get3A_133 : vector<1x16xf32> to vector<16xf32>
          %add3A_135 = arith.addf %get3A_130, %get3A_134 : vector<16xf32>
          %swap3A_136 = arith.index_cast %scan3A_30 : i32 to index
          %swap3A_137 = arith.constant 112 : index
          %swap3A_138 = tpu.vector_load %arg9[%swap3A_136, %swap3A_137] {strides = array<i32>} : memref<128x128xf32, #tpu.memory_space<vmem>>, vector<1x16xf32>,
          %swap3A_139 = vector.shape_cast %swap3A_138 : vector<1x16xf32> to vector<16xf32>
          %swap3A_140 = vector.shape_cast %add3A_135 : vector<16xf32> to vector<1x16xf32>
          tpu.vector_store %arg9[%swap3A_136, %swap3A_137], %swap3A_140 {strides = array<i32>} : memref<128x128xf32, #tpu.memory_space<vmem>>, vector<1x16xf32>,
        }
        %scan3A_29 = arith.constant 128 : i32
        "tpu.region"() ({
          %run_scoped3A = tpu.sem_alloc : memref<!tpu.dma_semaphore, #tpu.memory_space<semaphore_mem>>
          %dma_start3A_30 = arith.constant 0 : i32
          %dma_start3A_31 = tpu.memref_slice %arg6[%mul3A_13, %dma_start3A_30] : memref<320000x128xf32, #tpu.memory_space<hbm>> -> memref<128x128xf32, #tpu.memory_space<hbm>>
          %dma_start3A_32 = arith.constant 0 : i32
          %dma_start3A_33 = tpu.memref_slice %arg6[%mul3A_13, %dma_start3A_32] : memref<320000x128xf32, #tpu.memory_space<hbm>> -> memref<128x128xf32, #tpu.memory_space<hbm>>
          tpu.enqueue_dma source(%arg9 : memref<128x128xf32, #tpu.memory_space<vmem>>) target(%dma_start3A_33 : memref<128x128xf32, #tpu.memory_space<hbm>>) target_semaphore(%run_scoped3A : memref<!tpu.dma_semaphore, #tpu.memory_space<semaphore_mem>>)
          %dma_wait3A_34 = arith.constant 0 : i32
          %dma_wait3A_35 = tpu.memref_slice %arg6[%mul3A_13, %dma_wait3A_34] : memref<320000x128xf32, #tpu.memory_space<hbm>> -> memref<128x128xf32, #tpu.memory_space<hbm>>
          %dma_wait3A_36 = arith.constant 0 : i32
          %dma_wait3A_37 = tpu.memref_slice %arg6[%mul3A_13, %dma_wait3A_36] : memref<320000x128xf32, #tpu.memory_space<hbm>> -> memref<128x128xf32, #tpu.memory_space<hbm>>
          tpu.wait_dma2 semaphore(%run_scoped3A : memref<!tpu.dma_semaphore, #tpu.memory_space<semaphore_mem>>) src(%arg9 : memref<128x128xf32, #tpu.memory_space<vmem>>) dst(%dma_wait3A_37 : memref<128x128xf32, #tpu.memory_space<hbm>>)
          tpu.yield
        }) : () -> ()
      } else {
      }
    }
    %scan3A_5 = arith.constant 79 : i32
    return
  }
}

module attributes {stable_mosaic.version = 14 : i64} {
  func.func @mm_body(%arg0: i32, %arg1: memref<1000x128xf32, #tpu.memory_space<vmem>>, %arg2: memref<2x1000x128xf32, #tpu.memory_space<vmem>>, %arg3: memref<256x128xf32, #tpu.memory_space<vmem>>, %arg4: memref<1x128xf32, #tpu.memory_space<vmem>>, %arg5: memref<1000x128xf32, #tpu.memory_space<vmem>>, %arg6: memref<1000x128xf32, #tpu.memory_space<vmem>>) attributes {dimension_semantics = [#tpu.dimension_semantics<arbitrary>], iteration_bounds = array<i64: 10>, scalar_prefetch = 0 : i64, scratch_operands = 0 : i64, tpu.core_type = #tpu.core_type<tc>, window_params = [{transform_indices = @transform_0, window_bounds = array<i64: 1000, 128>}, {transform_indices = @transform_1, window_bounds = array<i64: 2, 1000, 128>}, {pipeline_mode = #tpu.pipeline_mode<synchronous>, transform_indices = @transform_2, window_bounds = array<i64: 256, 128>}, {pipeline_mode = #tpu.pipeline_mode<synchronous>, transform_indices = @transform_3, window_bounds = array<i64: 1, 128>}, {transform_indices = @transform_4, window_bounds = array<i64: 1000, 128>}, {transform_indices = @transform_5, window_bounds = array<i64: 1000, 128>}]} {
    %get3A = arith.constant 0 : index
    %get3A_0 = arith.constant 0 : index
    %get3A_1 = vector.load %arg3[%get3A, %get3A_0] : memref<256x128xf32, #tpu.memory_space<vmem>>, vector<256x128xf32>
    %get3A_2 = arith.constant 0 : index
    %get3A_3 = arith.constant 0 : index
    %get3A_4 = vector.load %arg1[%get3A_2, %get3A_3] : memref<1000x128xf32, #tpu.memory_space<vmem>>, vector<1000x128xf32>
    %slice3A = vector.extract_strided_slice %get3A_1 {offsets = [0, 0], sizes = [128, 128], strides = [1, 1]} : vector<256x128xf32> to vector<128x128xf32>
    %dot_general3A = arith.constant dense<0.000000e+00> : vector<1000x128xf32>
    %dot_general3A_5 = tpu.matmul %get3A_4, %slice3A, %dot_general3A {dimension_numbers = #tpu.dot_dimension_numbers<[1], [0], [0], [1], [0, 0, 1, 1], [], []>, transpose_lhs_hint = false} : vector<1000x128xf32>, vector<128x128xf32>, vector<1000x128xf32> -> vector<1000x128xf32>
    %get3A_6 = arith.constant 0 : index
    %get3A_7 = arith.constant 0 : index
    %get3A_8 = vector.load %arg4[%get3A_6, %get3A_7] : memref<1x128xf32, #tpu.memory_space<vmem>>, vector<1x128xf32>
    %add3A = vector.broadcast %get3A_8 : vector<1x128xf32> to vector<1000x128xf32>
    %add3A_9 = arith.addf %dot_general3A_5, %add3A : vector<1000x128xf32>
    %swap3A = arith.constant 0 : index
    %swap3A_10 = arith.constant 0 : index
    %swap3A_11 = vector.load %arg5[%swap3A, %swap3A_10] : memref<1000x128xf32, #tpu.memory_space<vmem>>, vector<1000x128xf32>
    tpu.vector_store %arg5[%swap3A, %swap3A_10], %add3A_9 {strides = array<i32>} : memref<1000x128xf32, #tpu.memory_space<vmem>>, vector<1000x128xf32>,
    %get3A_12 = arith.constant 0 : index
    %get3A_13 = arith.constant 0 : index
    %get3A_14 = arith.constant 0 : index
    %get3A_15 = vector.load %arg2[%get3A_12, %get3A_13, %get3A_14] : memref<2x1000x128xf32, #tpu.memory_space<vmem>>, vector<1x1000x128xf32>
    %get3A_16 = vector.shape_cast %get3A_15 : vector<1x1000x128xf32> to vector<1000x128xf32>
    %get3A_17 = arith.constant 1 : index
    %get3A_18 = arith.constant 0 : index
    %get3A_19 = arith.constant 0 : index
    %get3A_20 = vector.load %arg2[%get3A_17, %get3A_18, %get3A_19] : memref<2x1000x128xf32, #tpu.memory_space<vmem>>, vector<1x1000x128xf32>
    %get3A_21 = vector.shape_cast %get3A_20 : vector<1x1000x128xf32> to vector<1000x128xf32>
    %add3A_22 = arith.addf %get3A_16, %get3A_21 : vector<1000x128xf32>
    %slice3A_23 = vector.extract_strided_slice %get3A_1 {offsets = [128, 0], sizes = [128, 128], strides = [1, 1]} : vector<256x128xf32> to vector<128x128xf32>
    %dot_general3A_24 = arith.constant dense<0.000000e+00> : vector<1000x128xf32>
    %dot_general3A_25 = tpu.matmul %add3A_22, %slice3A_23, %dot_general3A_24 {dimension_numbers = #tpu.dot_dimension_numbers<[1], [0], [0], [1], [0, 0, 1, 1], [], []>, transpose_lhs_hint = false} : vector<1000x128xf32>, vector<128x128xf32>, vector<1000x128xf32> -> vector<1000x128xf32>
    %swap3A_26 = arith.constant 0 : index
    %swap3A_27 = arith.constant 0 : index
    %swap3A_28 = vector.load %arg6[%swap3A_26, %swap3A_27] : memref<1000x128xf32, #tpu.memory_space<vmem>>, vector<1000x128xf32>
    tpu.vector_store %arg6[%swap3A_26, %swap3A_27], %dot_general3A_25 {strides = array<i32>} : memref<1000x128xf32, #tpu.memory_space<vmem>>, vector<1000x128xf32>,
    return
  }
  func.func @transform_0(%arg0: i32) -> (i32, i32) {
    %c0_i32 = arith.constant 0 : i32
    %c0_i32_0 = arith.constant 0 : i32
    return %arg0, %c0_i32 : i32, i32
  }
  func.func @transform_1(%arg0: i32) -> (i32, i32, i32) {
    %c0_i32 = arith.constant 0 : i32
    %c0_i32_0 = arith.constant 0 : i32
    %c0_i32_1 = arith.constant 0 : i32
    return %c0_i32, %arg0, %c0_i32_0 : i32, i32, i32
  }
  func.func @transform_2(%arg0: i32) -> (i32, i32) {
    %c0_i32 = arith.constant 0 : i32
    %c0_i32_0 = arith.constant 0 : i32
    %c0_i32_1 = arith.constant 0 : i32
    return %c0_i32, %c0_i32_0 : i32, i32
  }
  func.func @transform_3(%arg0: i32) -> (i32, i32) {
    %c0_i32 = arith.constant 0 : i32
    %c0_i32_0 = arith.constant 0 : i32
    %c0_i32_1 = arith.constant 0 : i32
    return %c0_i32, %c0_i32_0 : i32, i32
  }
  func.func @transform_4(%arg0: i32) -> (i32, i32) {
    %c0_i32 = arith.constant 0 : i32
    %c0_i32_0 = arith.constant 0 : i32
    return %arg0, %c0_i32 : i32, i32
  }
  func.func @transform_5(%arg0: i32) -> (i32, i32) {
    %c0_i32 = arith.constant 0 : i32
    %c0_i32_0 = arith.constant 0 : i32
    return %arg0, %c0_i32 : i32, i32
  }
}

</mosaic_0001>

<sc_bundles>
// kernel: kernel.5.cloned.1.call-start
scs
__scs_entry_jumppad:
0x0: {  	(pc) =	sbr.rel $0x88, $3  }
0x1: {  	(tag) =	ssettag $0x0;
	lr =	simm.s32 $0x1  }
0x2: {  	[smem:$0x3F9D] =	sst lr;
	_ =	strace $0xD0000000  }
0x3: {  	_ = 	snop  }
0x4: {  	_ = 	snop  }
0x5: {  	_ = 	snop  }
0x6: {  	_ = 	snop  }
0x7: {  	_ = 	snop  }
__scs_overlays_trampoline_lowered:
0x8: {  	[smem:$0x3FAC] =	sst s0  }
0x9: {  	[smem:$0x3FAD] =	sst s1  }
0xa: {  	[smem:$0x3FAE] =	sst s2  }
0xb: {  	[smem:$0x3FAF] =	sst s3  }
0xc: {  	[smem:$0x3FB0] =	sst s4  }
0xd: {  	[smem:$0x3FB1] =	sst s5  }
0xe: {  	[smem:$0x3FB2] =	sst s6  }
0xf: {  	[smem:$0x3FB3] =	sst s7  }
0x10: {  	[smem:$0x3FB4] =	sst s8  }
0x11: {  	[smem:$0x3FB5] =	sst s9;
	s0 =	simm.s32 @!p0 $0x0  }
0x12: {  	s1 =	sld [smem:$0x3F9B];
	s0 =	simm.s32 @p0 $0x1  }
0x13: {  	[smem:$0x3FB6] =	sst s0;
	s0 =	simm.s32 @!p1 $0x0  }
0x14: {  	s2 =	sld [smem:$0x3F9A];
	s0 =	simm.s32 @p1 $0x1  }
0x15: {  	[smem:$0x3FB7] =	sst s0;
	s0 =	simm.s32 @!p2 $0x0  }
0x16: {  	s3 =	sld [smem:$0x3FDB];
	s0 =	simm.s32 @p2 $0x1  }
0x17: {  	s4 =	simm.s32 $0x1BF5;
	[smem:$0x3FB9] =	sst s0  }
0x18: {  	s0 =	sld [smem:$0x3F9C];
	_ =	swait.ge [sflag:s4], $0x0  }
0x19: {  	s7 =	sld [smem:$0x3F9D]  }
0x1a: {  	s8 =	sadd.s32 $0xFFFFE003, lr  }
0x1b: {  	s9 =	sadd.s32 $0xFFFFFEF7, lr;
	s5 =	simm.s32 $0xFFFFFFFF;
	p2 =	slt.u32 s8, $0xFFFFF086  }
0x1c: {  	p1 =	slt.u32 s9, $0xF7A;
	s5 =	simm.s32 @!p2 $0x0  }
0x1d: {  	s5 =	simm.s32 @p1 $0x1;
	p0 =	seq.s32 s7, s2  }
0x1e: {  	s7 =	smul.u32 @!p0 $0xF7A, s2;
	p2 =	seq.s32 @!p0 s5, $0x0  }
0x1f: {  	s9 =	smul.u32 $0xF7A, s1;
	s8 =	simm.s32 @!p0 $0x1BF5;
	p2 =	por !p2, p0  }
0x20: {  	[sflag:s8] =	ssyncset.s32 @!p0 $0xFFFFF086;
	s6 =	sadd.s32 @!p0 s3, s7;
	s7 =	simm.s32 @!p0 $0x108  }
0x21: {  	s3 =	sadd.s32 s3, s9;
	s6 =	sadd.s32 @!p0 $0x88, s6;
	s7 =	simm.s32 @p2 $0x1082  }
0x22: {  	[simem:s7], [sflag:s8] =	dma.local @!p0 [hbm:s6], $0xF7A  }
0x23: {  	s9 =	sor.u32 $0xD0000000, s2;
	s6 =	simm.s32 $0x108;
	_ =	swait.ge @!p0 [sflag:s8], $0x0  }
0x24: {  	s3 =	sadd.s32 $0x88, s3;
	s6 =	simm.s32 @!p1 $0x1082;
	[sflag:s4] =	ssyncset.s32 $0xFFFFF086  }
0x25: {  	[simem:s6], [sflag:s4] =	dma.local [hbm:s3], $0xF7A  }
0x26: {  	[smem:$0x3F9D] =	sst s1;
	(tag) =	ssettag s2;
	_ =	strace s9  }
0x27: {  	s1 =	sld [smem:$0x3FAD]  }
0x28: {  	s2 =	sld [smem:$0x3FAE]  }
0x29: {  	s4 =	sld [smem:$0x3FB0]  }
0x2a: {  	p0 =	seq.s32 s5, $0x0;
	s5 =	sld [smem:$0x3FB1]  }
0x2b: {  	s6 =	sld [smem:$0x3FB2]  }
0x2c: {  	s7 =	sld [smem:$0x3FB3]  }
0x2d: {  	s3 =	simm.s32 $0x108;
	s8 =	sld [smem:$0x3FB4]  }
0x2e: {  	s3 =	simm.s32 @!p0 $0x1082;
	s9 =	sld [smem:$0x3FB5]  }
0x2f: {  	lr =	sadd.s32 s0, s3;
	s0 =	sld [smem:$0x3FAC]  }
0x30: {  	s3 =	sld [smem:$0x3FAF]  }
0x31: {  	[smem:$0x3FB8] =	sst s10  }
0x32: {  	s10 =	sld [smem:$0x3FB6];
	_ =	sdelay $0x3  }
0x33: {  	p0 =	seq.s32 s10, $0x1;
	s10 =	sld [smem:$0x3FB8];
	_ =	sdelay $0x3  }
0x34: {  	[smem:$0x3FB8] =	sst s10  }
0x35: {  	s10 =	sld [smem:$0x3FB7];
	_ =	sdelay $0x3  }
0x36: {  	p1 =	seq.s32 s10, $0x1;
	s10 =	sld [smem:$0x3FB8];
	_ =	sdelay $0x3  }
0x37: {  	[smem:$0x3FB8] =	sst s10  }
0x38: {  	s10 =	sld [smem:$0x3FB9]  }
0x39: {  	_ = 	snop;
	(pc) =	sbr.ind lr, $3  }
0x3a: {  	_ = 	snop  }
0x3b: {  	_ = 	snop  }
0x3c: {  	p2 =	seq.s32 s10, $0x1;
	s10 =	sld [smem:$0x3FB8]  }
0x3d: {  	_ =	shalt  }
0x3e: {  	_ =	shalt  }
0x3f: {  	_ =	shalt  }
0x40: {  	_ =	shalt  }
0x41: {  	_ =	shalt  }
0x42: {  	_ =	shalt  }
0x43: {  	_ =	shalt  }
0x44: {  	_ =	shalt  }
0x45: {  	_ =	shalt  }
0x46: {  	_ =	shalt  }
0x47: {  	_ =	shalt  }
0x48: {  	_ =	shalt  }
0x49: {  	_ =	shalt  }
0x4a: {  	_ =	shalt  }
0x4b: {  	_ =	shalt  }
0x4c: {  	_ =	shalt  }
0x4d: {  	_ =	shalt  }
0x4e: {  	_ =	shalt  }
0x4f: {  	_ =	shalt  }
0x50: {  	_ =	shalt  }
0x51: {  	_ =	shalt  }
0x52: {  	_ =	shalt  }
0x53: {  	_ =	shalt  }
0x54: {  	_ =	shalt  }
0x55: {  	_ =	shalt  }
0x56: {  	_ =	shalt  }
0x57: {  	_ =	shalt  }
0x58: {  	_ =	shalt  }
0x59: {  	_ =	shalt  }
0x5a: {  	_ =	shalt  }
0x5b: {  	_ =	shalt  }
0x5c: {  	_ =	shalt  }
0x5d: {  	_ =	shalt  }
0x5e: {  	_ =	shalt  }
0x5f: {  	_ =	shalt  }
0x60: {  	_ =	shalt  }
0x61: {  	_ =	shalt  }
0x62: {  	_ =	shalt  }
0x63: {  	_ =	shalt  }
0x64: {  	_ =	shalt  }
0x65: {  	_ =	shalt  }
0x66: {  	_ =	shalt  }
0x67: {  	_ =	shalt  }
0x68: {  	_ =	shalt  }
0x69: {  	_ =	shalt  }
0x6a: {  	_ =	shalt  }
0x6b: {  	_ =	shalt  }
0x6c: {  	_ =	shalt  }
0x6d: {  	_ =	shalt  }
0x6e: {  	_ =	shalt  }
0x6f: {  	_ =	shalt  }
0x70: {  	_ =	shalt  }
0x71: {  	_ =	shalt  }
0x72: {  	_ =	shalt  }
0x73: {  	_ =	shalt  }
0x74: {  	_ =	shalt  }
0x75: {  	_ =	shalt  }
0x76: {  	_ =	shalt  }
0x77: {  	_ =	shalt  }
0x78: {  	_ =	shalt  }
0x79: {  	_ =	shalt  }
0x7a: {  	_ =	shalt  }
0x7b: {  	_ =	shalt  }
0x7c: {  	_ =	shalt  }
0x7d: {  	_ =	shalt  }
0x7e: {  	_ =	shalt  }
0x7f: {  	_ =	shalt  }
0x80: {  	_ =	shalt  }
0x81: {  	_ =	shalt  }
0x82: {  	_ =	shalt  }
0x83: {  	_ =	shalt  }
0x84: {  	_ =	shalt  }
0x85: {  	_ =	shalt  }
0x86: {  	_ =	shalt  }
0x87: {  	_ =	shalt  }
.Lfunc_end0:
.L_simem_size_0:
called_computation_lowered:
.L_overlay_start_0:
0x88: {  	s2 =	sld [smem:$0x3FD9]  }
0x89: {  	s3 =	sld [smem:$0x3FFE];
	_ =	sdelay $0x1  }
0x8a: {  	s1 =	srdreg.scid  }
0x8b: {  	s0 =	sand.u32 $0x1, s1  }
0x8c: {  	s17 =	sshll.u32 s0, $0xA;
	s2 =	sadd.s32 s3, s2  }
0x8d: {  	s2 =	sadd.s32 s2, s17  }
0x8e: {  	[smem:$0x3FC4] =	sst s2  }
0x8f: {  	_ = 	snop  }
0x90: {  	s2 =	sld [smem:$0x3FC9]  }
0x91: {  	s18 =	sld [smem:$0x3FD0];
	(tm) =	ssettm $0x1  }
0x92: {  	s4 =	sld [smem:$0x3FFB];
	_ =	sdelay $0x3  }
0x93: {  	_ =	strace s4  }
0x94: {  	s4 =	sld [smem:$0x3FFC];
	_ =	sdelay $0x3  }
0x95: {  	_ =	strace s4  }
0x96: {  	s4 =	sld [smem:$0x3FFD];
	_ =	sdelay $0x3  }
0x97: {  	_ =	strace s4  }
0x98: {  	_ =	strace $0x8FFFFFFF  }
0x99: {  	s19 =	sld [smem:$0x3FDB];
	_ =	sdelay $0x1  }
0x9a: {  	s5 =	simm.s32 $_scs_section_size  }
0x9b: {  	s6 =	simm.s32 $_size__tile_overlayer_lowered;
	s7 =	simm.s32 $_tile_overlayer_lowered  }
0x9c: {  	s22 =	simm.s32 $0x1BFF;
	s21 =	sshll.u32 s7, $0x1;
	s4 =	sadd.s32 s5, s19  }
0x9d: {  	s8 =	simm.s32 $0x0;
	s20 =	sshll.u32 s6, $0x1;
	s6 =	sadd.s32 s21, s4  }
0x9e: {  	[timem:s8], [sflag:s22] =	dma.local [hbm:s6], s20  }
0x9f: {  	_ =	swait.ge [sflag:s22], s20  }
0xa0: {  	s5 =	ssub.s32 $0x0, s20;
	[sflag:s22] =	ssyncset.done $0x0  }
0xa1: {  	[sflag:s22] =	ssyncadd.s32 s5;
	_ =	sdelay $0x1  }
0xa2: {  	s23 =	simm.s32 $0x1B8B  }
0xa3: {  	_ =	swait.ge [sflag:s23], $0x1  }
0xa4: {  	[sflag:s23] =	ssyncset.done $0x0  }
0xa5: {  	s25 =	simm.s32 $0x1B8E;
	s24 =	sld [smem:$0x3FFE];
	[sflag:s23] =	ssyncadd.s32 $0xFFFFFFFF  }
0xa6: {  	s26 =	simm.s32 $execute0_lowered;
	[smem:$0x3FD2] =	sst s25  }
0xa7: {  	s6 =	sshll.u32 s26, $0x1;
	_ =	strace $0x80000046;
	[dreg:$0x1] =	wrdreg $0xFFFFFFFF  }
0xa8: {  	s28 =	simm.s32 $_size_execute0_lowered;
	s4 =	sadd.s32 s4, s6;
	[dreg:$0x0] =	wrdreg $0x0  }
0xa9: {  	s6 =	sshll.u32 s28, $0x1;
	[dreg:$0x2] =	wrdreg s4  }
0xaa: {  	[dreg:$0x3] =	wrdreg s6  }
0xab: {  	[dreg:$0x4] =	wrdreg $0xC0  }
0xac: {  	_ =	task [dreg:s8], $0x5FFFF  }
0xad: {  	[dreg:$0x1] =	wrdreg $0xFFFFFFFF  }
0xae: {  	[dreg:$0x0] =	wrdreg $0x60  }
0xaf: {  	[dreg:$0x2] =	wrdreg s2  }
0xb0: {  	[dreg:$0x3] =	wrdreg s24  }
0xb1: {  	[dreg:$0x4] =	wrdreg s18  }
0xb2: {  	[dreg:$0x5] =	wrdreg $0x41000  }
0xb3: {  	[dreg:$0x6] =	wrdreg $0x9  }
0xb4: {  	_ =	task.clear_ibuf [dreg:s8], $0x7FFFF;
	_ =	strace $0x90000046  }
0xb5: {  	s29 =	simm.s32 $0x9;
	_ =	strace $0x80000048  }
0xb6: {  	_ =	swait.ge [sflag:s29], $0x1  }
0xb7: {  	[sflag:s29] =	ssyncadd.s32 $0xFFFFFFFF  }
0xb8: {  	_ =	strace $0x90000048  }
0xb9: {  	_ =	sfence  }
0xba: {  	s30 =	sld [smem:$0x0];
	_ =	sdelay $0x2  }
0xbb: {  	s31 =	sshll.u32 s1, $0xD;
	s1 =	sshrl.u32 s1, $0x2  }
0xbc: {  	s3 =	sand.u32 $0x4000, s31;
	s1 =	sadd.s32 s1, s30  }
0xbd: {  	s0 =	sor.u32 s3, s0;
	s1 =	sshll.u32 s1, $0x11  }
0xbe: {  	s0 =	sor.u32 s1, s0  }
0xbf: {  	s0 =	sadd.s32 $0x8F2B, s0  }
0xc0: {  	[sflag:s0] =	ssyncadd.remote.s32 $0x1  }
0xc1: {  	_ =	sfence.sel $0xFFFF  }
0xc2: {  	[dreg:$0x0] =	wrdreg $0xFFFFFFFF;
	(pc) =	sbr.abs _section_cstart, $3  }
0xc3: {  	[dreg:$0x1] =	wrdreg $0xFFFFFFFF  }
0xc4: {  	_ =	task.clear_ibuf [dreg:s8], $0x2FFFF;
	_ =	strace $0x9FFFFFFF  }
0xc5: {  	(tm) =	ssettm $0x7FFFFFFF  }
tec
execute0_lowered:
.L_overlay_start_1:
0x0: {  	(tag) =	ssettag $0x1  }
0x1: {  	s1 =	rddreg [dreg:$0x0]  }
0x2: {  	s5 =	rddreg [dreg:$0x1]  }
0x3: {  	s8 =	rddreg [dreg:$0x2]  }
0x4: {  	s3 =	rddreg [dreg:$0x3]  }
0x5: {  	s0 =	rddreg [dreg:$0x4]  }
0x6: {  	s4 =	simm.s32 $0x0;
	s2 =	stileid.u32;
	s6 =	srdreg.scid  }
0x7: {  	[smem:$0x7FF] =	sst s4;
	s7 =	smul.u32 $0x13C00, s2  }
0x8: {  	s9 =	sshll.u32 s2, $0x5;
	s10 =	sand.u32 $0x1, s6;
	s12 =	smul.u32 $0x4F000, s2  }
0x9: {  	s14 =	sshll.u32 s2, $0x6;
	_ =	strace $0x80000047;
	s11 =	ssub.s32 $0x2, s10  }
0xa: {  	s9 =	sadd.s32 s9, s5;
	s13 =	smul.u32 $0x13C000, s10;
	s10 =	sshll.u32 s10, $0x4  }
0xb: {  	s29 =	sshrl.u32 s7, $0x3;
	s30 =	sshrl.u32 s11, $0x1;
	s12 =	sshrl.u32 s12, $0x2  }
0xc: {  	s31 =	sadd.s32 s10, s9;
	s6 =	sadd.s32 s29, s5;
	s11 =	ssub.s32 s11, s30  }
0xd: {  	s5 =	sshll.u32 s2, $0x1;
	s12 =	sadd.s32 s12, s3;
	s13 =	sadd.s32 s7, s13  }
0xe: {  	s7 =	sor.u32 $0x1C02, s14;
	s10 =	sadd.s32 $0x1200, s31;
	s6 =	sadd.s32 $0x14E00, s6  }
0xf: {  	s13 =	sshrl.u32 s13, $0x3;
	s9 =	smax.u32 s11, $0x1;
	s11 =	sadd.s32 $0xB000, s31  }
0x10: {  	s12 =	sshrl.u32 s12, $0x3;
	s8 =	sadd.s32 s8, s13;
	s13 =	simm.s32 $0x2  }
.LBB2_1:
0x11: {  	[spmem:s12], [sflag:s7] =	dma.local [hbm:s6], $0x2780  }
0x12: {  	_ =	swait.ge [sflag:s13], $0x2780  }
0x13: {  	p0 =	sgt.u32 s5, $0x9C3;
	[sflag:s13] =	ssyncset.done $0x0  }
0x14: {  	s14 =	sadd.s32 @!p0 $0x0, s11;
	[sflag:s13] =	ssyncadd.s32 $0xFFFFD880  }
0x15: {  	s15 =	simm.s32 @!p0 $0x0;
	s16 =	simm.s32 @!p0 $0x3;
	[bflag:$0x0] =	sbarrier.arrive $0xFFFF  }
0x16: {  	[tilespmem:s15], [sflag:$0x3] =	stream.linear.gather @!p0 [hbm4b:s14+s15], $0x80, $0x38;
	[tilespmem:$0x17D00] =	vst v63  }
0x17: {  	_ =	swait.ge @!p0 [sflag:s16], $0x80;
	p0 =	por p0, p0  }
0x18: {  	[sflag:s16] =	ssyncset.done @!p0 $0x0  }
0x19: {  	s14 =	sadd.s32 @!p0 $0x0, s10;
	s17 =	simm.s32 @!p0 $0x80;
	[sflag:s16] =	ssyncadd.s32 @!p0 $0xFFFFFF80  }
0x1a: {  	[tilespmem:s17], [sflag:$0x3] =	stream.linear.gather @!p0 [hbm4b:s14+s15], $0x80, $0x38;
	[tilespmem:$0x17D00] =	vst v63  }
0x1b: {  	_ =	swait.ge @!p0 [sflag:s16], $0x80  }
0x1c: {  	[sflag:s16] =	ssyncset.done @!p0 $0x0  }
0x1d: {  	s14 =	simm.s32 @!p0 $0x100;
	[sflag:s16] =	ssyncadd.s32 @!p0 $0xFFFFFF80;
	s16 =	simm.s32 @!p0 $0x1  }
0x1e: {  	[tilespmem:s14], [sflag:$0x1] =	stream.indirect.gather @!p0 [hbm4b:s1+s17], $0x80, s15, s17, $0xb8;
	[tilespmem:$0x17D00] =	vst v63  }
0x1f: {  	_ =	swait.ge @!p0 [sflag:s16], $0x4000  }
0x20: {  	[sflag:s16] =	ssyncset.done @!p0 $0x0  }
0x21: {  	s15 =	sadd.s32 $0x20, s5;
	[sflag:s16] =	ssyncadd.s32 @!p0 $0xFFFFC000  }
0x22: {  	[spmem:s3] =	stream.indirect.scatter.add.f32 @!p0 [tilespmem:s14], [sflag:$0x2], $0x80, s17, s17, $0xb8;
	[tilespmem:$0x17D00] =	vst v63  }
0x23: {  	p2 =	sgt.u32 s15, $0x9C3;
	s17 =	simm.s32 @!p0 $0x2  }
0x24: {  	s16 =	simm.s32 $0x400;
	s14 =	simm.s32 $0x200;
	_ =	swait.ge @!p0 [sflag:s17], $0x4000  }
.LBB2_2:
0x25: {  	s18 =	sadd.s32 @!p2 s14, s11  }
0x26: {  	s19 =	simm.s32 @!p2 $0x0;
	[sflag:s17] =	ssyncset.done @!p0 $0x0;
	s20 =	smov.u32 s16  }
0x27: {  	s16 =	sadd.s32 $0x200, s16;
	s21 =	simm.s32 @!p2 $0x3;
	[sflag:s17] =	ssyncadd.s32 @!p0 $0xFFFFC000  }
0x28: {  	[tilespmem:s19], [sflag:$0x3] =	stream.linear.gather @!p2 [hbm4b:s18+s19], $0x80, $0x38;
	[tilespmem:$0x17D00] =	vst v63  }
0x29: {  	p1 =	sne.s32 s16, $0x9E00;
	p0 =	por p2, p2;
	_ =	swait.ge @!p2 [sflag:s21], $0x80  }
0x2a: {  	[sflag:s21] =	ssyncset.done @!p0 $0x0  }
0x2b: {  	s14 =	sadd.s32 @!p0 s14, s10;
	s18 =	simm.s32 @!p0 $0x80;
	[sflag:s21] =	ssyncadd.s32 @!p0 $0xFFFFFF80  }
0x2c: {  	[tilespmem:s18], [sflag:$0x3] =	stream.linear.gather @!p0 [hbm4b:s14+s19], $0x80, $0x38;
	[tilespmem:$0x17D00] =	vst v63  }
0x2d: {  	s14 =	smov.u32 s20;
	_ =	swait.ge @!p0 [sflag:s21], $0x80  }
0x2e: {  	[sflag:s21] =	ssyncset.done @!p0 $0x0  }
0x2f: {  	s17 =	simm.s32 @!p0 $0x1;
	s20 =	simm.s32 @!p0 $0x100;
	[sflag:s21] =	ssyncadd.s32 @!p0 $0xFFFFFF80  }
0x30: {  	[tilespmem:s20], [sflag:$0x1] =	stream.indirect.gather @!p0 [hbm4b:s1+s18], $0x80, s19, s18, $0xb8;
	[tilespmem:$0x17D00] =	vst v63  }
.Ltmp0:
0x31: {  	_ =	swait.ge @!p0 [sflag:s17], $0x4000;
	(pc) =	sbr.rel @p1 .LBB2_2-.Ltmp0, $4  }
0x32: {  	[sflag:s17] =	ssyncset.done @!p0 $0x0  }
0x33: {  	s15 =	sadd.s32 $0x20, s15;
	[sflag:s17] =	ssyncadd.s32 @!p0 $0xFFFFC000;
	s17 =	simm.s32 @!p0 $0x2  }
0x34: {  	[spmem:s3] =	stream.indirect.scatter.add.f32 @!p0 [tilespmem:s20], [sflag:$0x2], $0x80, s18, s18, $0xb8;
	[tilespmem:$0x17D00] =	vst v63  }
0x35: {  	p2 =	sgt.u32 s15, $0x9C3;
	_ =	swait.ge @!p0 [sflag:s17], $0x4000  }
0x36: {  	s15 =	sadd.s32 @!p2 s14, s11;
	[sflag:s17] =	ssyncset.done @!p0 $0x0  }
0x37: {  	s16 =	simm.s32 @!p2 $0x0;
	s18 =	simm.s32 @!p2 $0x3;
	[sflag:s17] =	ssyncadd.s32 @!p0 $0xFFFFC000  }
0x38: {  	[tilespmem:s16], [sflag:$0x3] =	stream.linear.gather @!p2 [hbm4b:s15+s16], $0x80, $0x38;
	[tilespmem:$0x17D00] =	vst v63  }
0x39: {  	p0 =	por p2, p2;
	_ =	swait.ge @!p2 [sflag:s18], $0x80  }
0x3a: {  	[sflag:s18] =	ssyncset.done @!p0 $0x0  }
0x3b: {  	s14 =	sadd.s32 @!p0 s14, s10;
	s15 =	simm.s32 @!p0 $0x80;
	[sflag:s18] =	ssyncadd.s32 @!p0 $0xFFFFFF80  }
0x3c: {  	[tilespmem:s15], [sflag:$0x3] =	stream.linear.gather @!p0 [hbm4b:s14+s16], $0x80, $0x38;
	[tilespmem:$0x17D00] =	vst v63  }
0x3d: {  	_ =	swait.ge @!p0 [sflag:s18], $0x80  }
0x3e: {  	[sflag:s18] =	ssyncset.done @!p0 $0x0  }
0x3f: {  	s17 =	simm.s32 @!p0 $0x1;
	s14 =	simm.s32 @!p0 $0x100;
	[sflag:s18] =	ssyncadd.s32 @!p0 $0xFFFFFF80  }
0x40: {  	[tilespmem:s14], [sflag:$0x1] =	stream.indirect.gather @!p0 [hbm4b:s1+s15], $0x80, s16, s15, $0xb8;
	[tilespmem:$0x17D00] =	vst v63  }
0x41: {  	_ =	swait.ge @!p0 [sflag:s17], $0x4000  }
0x42: {  	[sflag:s17] =	ssyncset.done @!p0 $0x0  }
0x43: {  	s16 =	simm.s32 @!p0 $0x2;
	[sflag:s17] =	ssyncadd.s32 @!p0 $0xFFFFC000  }
0x44: {  	[spmem:s3] =	stream.indirect.scatter.add.f32 @!p0 [tilespmem:s14], [sflag:$0x2], $0x80, s15, s15, $0xb8;
	[tilespmem:$0x17D00] =	vst v63  }
0x45: {  	_ =	swait.ge @!p0 [sflag:s16], $0x4000  }
0x46: {  	s4 =	sadd.s32 $0x1, s4;
	[sflag:s16] =	ssyncset.done @!p0 $0x0  }
0x47: {  	[sflag:s16] =	ssyncadd.s32 @!p0 $0xFFFFC000;
	p0 =	sne.s32 s4, s9  }
.Ltmp1:
0x48: {  	[bflag:$0x0] =	sbarrier.arrive $0xFFFF;
	(pc) =	sbr.rel @p0 .LBB2_1-.Ltmp1, $4  }
0x49: {  	[hbm:s8], [sflag:s7] =	dma.local [spmem:s12], $0x2780  }
0x4a: {  	_ =	swait.ge [sflag:s13], $0x2780  }
0x4b: {  	[sflag:s13] =	ssyncset.done $0x0  }
0x4c: {  	[sflag:s13] =	ssyncadd.s32 $0xFFFFD880  }
0x4d: {  	_ =	sfence.sel $0x180000  }
0x4e: {  	[bflag:$0x0] =	sbarrier.arrive $0xFFFF  }
0x4f: {  	p0 =	sne.s32 s2, $0x0;
	_ =	strace $0x90000047  }
0x50: {  	s0 =	sadd.s32 @!p0 $0x100000, s0;
	[bflag:$0x2] =	sbarrier.arrive $0xFFFF  }
0x51: {  	[sflag:s0] =	ssyncadd.tile.s32 @!p0 $0x1;
	_ =	shalt  }
.Lfunc_end2:
_tile_overlayer_lowered:
.L_overlay_start_2:
0x52: {  	(tag) =	ssettag $0x2  }
0x53: {  	s0 =	rddreg [dreg:$0x0];
	s2 =	stileid.u32  }
0x54: {  	s1 =	rddreg [dreg:$0x1];
	p0 =	sne.s32 s2, $0x0  }
0x55: {  	s3 =	rddreg [dreg:$0x2];
	[bflag:$0x3] =	sbarrier.arrive $0xFFFF;
	s2 =	simm.s32 @!p0 $0x1C02  }
0x56: {  	[timem:s3], [sflag:s2] =	dma.local @!p0 [hbm:s0], s1  }
0x57: {  	s0 =	simm.s32 @!p0 $0x2  }
0x58: {  	_ =	swait.ge @!p0 [sflag:s0], s1  }
0x59: {  	s1 =	ssub.s32 @!p0 $0x0, s1;
	[sflag:s0] =	ssyncset.done @!p0 $0x0  }
0x5a: {  	[sflag:s0] =	ssyncadd.s32 @!p0 s1  }
0x5b: {  	[bflag:$0x3] =	sbarrier.arrive $0xFFFF  }
0x5c: {  	_ =	shalt  }

// kernel: kernel.8.cloned.1.call-start
scs
__scs_entry_jumppad:
0x0: {  	(pc) =	sbr.rel $0x88, $3  }
0x1: {  	(tag) =	ssettag $0x0;
	lr =	simm.s32 $0x1  }
0x2: {  	[smem:$0x3F9D] =	sst lr;
	_ =	strace $0xD0000000  }
0x3: {  	_ = 	snop  }
0x4: {  	_ = 	snop  }
0x5: {  	_ = 	snop  }
0x6: {  	_ = 	snop  }
0x7: {  	_ = 	snop  }
__scs_overlays_trampoline_lowered:
0x8: {  	[smem:$0x3FAC] =	sst s0  }
0x9: {  	[smem:$0x3FAD] =	sst s1  }
0xa: {  	[smem:$0x3FAE] =	sst s2  }
0xb: {  	[smem:$0x3FAF] =	sst s3  }
0xc: {  	[smem:$0x3FB0] =	sst s4  }
0xd: {  	[smem:$0x3FB1] =	sst s5  }
0xe: {  	[smem:$0x3FB2] =	sst s6  }
0xf: {  	[smem:$0x3FB3] =	sst s7  }
0x10: {  	[smem:$0x3FB4] =	sst s8  }
0x11: {  	[smem:$0x3FB5] =	sst s9;
	s0 =	simm.s32 @!p0 $0x0  }
0x12: {  	s1 =	sld [smem:$0x3F9B];
	s0 =	simm.s32 @p0 $0x1  }
0x13: {  	[smem:$0x3FB6] =	sst s0;
	s0 =	simm.s32 @!p1 $0x0  }
0x14: {  	s2 =	sld [smem:$0x3F9A];
	s0 =	simm.s32 @p1 $0x1  }
0x15: {  	[smem:$0x3FB7] =	sst s0;
	s0 =	simm.s32 @!p2 $0x0  }
0x16: {  	s3 =	sld [smem:$0x3FDB];
	s0 =	simm.s32 @p2 $0x1  }
0x17: {  	s4 =	simm.s32 $0x1BF5;
	[smem:$0x3FB9] =	sst s0  }
0x18: {  	s0 =	sld [smem:$0x3F9C];
	_ =	swait.ge [sflag:s4], $0x0  }
0x19: {  	s7 =	sld [smem:$0x3F9D]  }
0x1a: {  	s8 =	sadd.s32 $0xFFFFE003, lr  }
0x1b: {  	s9 =	sadd.s32 $0xFFFFFEF7, lr;
	s5 =	simm.s32 $0xFFFFFFFF;
	p2 =	slt.u32 s8, $0xFFFFF086  }
0x1c: {  	p1 =	slt.u32 s9, $0xF7A;
	s5 =	simm.s32 @!p2 $0x0  }
0x1d: {  	s5 =	simm.s32 @p1 $0x1;
	p0 =	seq.s32 s7, s2  }
0x1e: {  	s7 =	smul.u32 @!p0 $0xF7A, s2;
	p2 =	seq.s32 @!p0 s5, $0x0  }
0x1f: {  	s9 =	smul.u32 $0xF7A, s1;
	s8 =	simm.s32 @!p0 $0x1BF5;
	p2 =	por !p2, p0  }
0x20: {  	[sflag:s8] =	ssyncset.s32 @!p0 $0xFFFFF086;
	s6 =	sadd.s32 @!p0 s3, s7;
	s7 =	simm.s32 @!p0 $0x108  }
0x21: {  	s3 =	sadd.s32 s3, s9;
	s6 =	sadd.s32 @!p0 $0x88, s6;
	s7 =	simm.s32 @p2 $0x1082  }
0x22: {  	[simem:s7], [sflag:s8] =	dma.local @!p0 [hbm:s6], $0xF7A  }
0x23: {  	s9 =	sor.u32 $0xD0000000, s2;
	s6 =	simm.s32 $0x108;
	_ =	swait.ge @!p0 [sflag:s8], $0x0  }
0x24: {  	s3 =	sadd.s32 $0x88, s3;
	s6 =	simm.s32 @!p1 $0x1082;
	[sflag:s4] =	ssyncset.s32 $0xFFFFF086  }
0x25: {  	[simem:s6], [sflag:s4] =	dma.local [hbm:s3], $0xF7A  }
0x26: {  	[smem:$0x3F9D] =	sst s1;
	(tag) =	ssettag s2;
	_ =	strace s9  }
0x27: {  	s1 =	sld [smem:$0x3FAD]  }
0x28: {  	s2 =	sld [smem:$0x3FAE]  }
0x29: {  	s4 =	sld [smem:$0x3FB0]  }
0x2a: {  	p0 =	seq.s32 s5, $0x0;
	s5 =	sld [smem:$0x3FB1]  }
0x2b: {  	s6 =	sld [smem:$0x3FB2]  }
0x2c: {  	s7 =	sld [smem:$0x3FB3]  }
0x2d: {  	s3 =	simm.s32 $0x108;
	s8 =	sld [smem:$0x3FB4]  }
0x2e: {  	s3 =	simm.s32 @!p0 $0x1082;
	s9 =	sld [smem:$0x3FB5]  }
0x2f: {  	lr =	sadd.s32 s0, s3;
	s0 =	sld [smem:$0x3FAC]  }
0x30: {  	s3 =	sld [smem:$0x3FAF]  }
0x31: {  	[smem:$0x3FB8] =	sst s10  }
0x32: {  	s10 =	sld [smem:$0x3FB6];
	_ =	sdelay $0x3  }
0x33: {  	p0 =	seq.s32 s10, $0x1;
	s10 =	sld [smem:$0x3FB8];
	_ =	sdelay $0x3  }
0x34: {  	[smem:$0x3FB8] =	sst s10  }
0x35: {  	s10 =	sld [smem:$0x3FB7];
	_ =	sdelay $0x3  }
0x36: {  	p1 =	seq.s32 s10, $0x1;
	s10 =	sld [smem:$0x3FB8];
	_ =	sdelay $0x3  }
0x37: {  	[smem:$0x3FB8] =	sst s10  }
0x38: {  	s10 =	sld [smem:$0x3FB9]  }
0x39: {  	_ = 	snop;
	(pc) =	sbr.ind lr, $3  }
0x3a: {  	_ = 	snop  }
0x3b: {  	_ = 	snop  }
0x3c: {  	p2 =	seq.s32 s10, $0x1;
	s10 =	sld [smem:$0x3FB8]  }
0x3d: {  	_ =	shalt  }
0x3e: {  	_ =	shalt  }
0x3f: {  	_ =	shalt  }
0x40: {  	_ =	shalt  }
0x41: {  	_ =	shalt  }
0x42: {  	_ =	shalt  }
0x43: {  	_ =	shalt  }
0x44: {  	_ =	shalt  }
0x45: {  	_ =	shalt  }
0x46: {  	_ =	shalt  }
0x47: {  	_ =	shalt  }
0x48: {  	_ =	shalt  }
0x49: {  	_ =	shalt  }
0x4a: {  	_ =	shalt  }
0x4b: {  	_ =	shalt  }
0x4c: {  	_ =	shalt  }
0x4d: {  	_ =	shalt  }
0x4e: {  	_ =	shalt  }
0x4f: {  	_ =	shalt  }
0x50: {  	_ =	shalt  }
0x51: {  	_ =	shalt  }
0x52: {  	_ =	shalt  }
0x53: {  	_ =	shalt  }
0x54: {  	_ =	shalt  }
0x55: {  	_ =	shalt  }
0x56: {  	_ =	shalt  }
0x57: {  	_ =	shalt  }
0x58: {  	_ =	shalt  }
0x59: {  	_ =	shalt  }
0x5a: {  	_ =	shalt  }
0x5b: {  	_ =	shalt  }
0x5c: {  	_ =	shalt  }
0x5d: {  	_ =	shalt  }
0x5e: {  	_ =	shalt  }
0x5f: {  	_ =	shalt  }
0x60: {  	_ =	shalt  }
0x61: {  	_ =	shalt  }
0x62: {  	_ =	shalt  }
0x63: {  	_ =	shalt  }
0x64: {  	_ =	shalt  }
0x65: {  	_ =	shalt  }
0x66: {  	_ =	shalt  }
0x67: {  	_ =	shalt  }
0x68: {  	_ =	shalt  }
0x69: {  	_ =	shalt  }
0x6a: {  	_ =	shalt  }
0x6b: {  	_ =	shalt  }
0x6c: {  	_ =	shalt  }
0x6d: {  	_ =	shalt  }
0x6e: {  	_ =	shalt  }
0x6f: {  	_ =	shalt  }
0x70: {  	_ =	shalt  }
0x71: {  	_ =	shalt  }
0x72: {  	_ =	shalt  }
0x73: {  	_ =	shalt  }
0x74: {  	_ =	shalt  }
0x75: {  	_ =	shalt  }
0x76: {  	_ =	shalt  }
0x77: {  	_ =	shalt  }
0x78: {  	_ =	shalt  }
0x79: {  	_ =	shalt  }
0x7a: {  	_ =	shalt  }
0x7b: {  	_ =	shalt  }
0x7c: {  	_ =	shalt  }
0x7d: {  	_ =	shalt  }
0x7e: {  	_ =	shalt  }
0x7f: {  	_ =	shalt  }
0x80: {  	_ =	shalt  }
0x81: {  	_ =	shalt  }
0x82: {  	_ =	shalt  }
0x83: {  	_ =	shalt  }
0x84: {  	_ =	shalt  }
0x85: {  	_ =	shalt  }
0x86: {  	_ =	shalt  }
0x87: {  	_ =	shalt  }
.Lfunc_end0:
.L_simem_size_0:
called_computation.1_lowered:
.L_overlay_start_0:
0x88: {  	s2 =	sld [smem:$0x3FD9]  }
0x89: {  	s3 =	sld [smem:$0x3FFE];
	_ =	sdelay $0x1  }
0x8a: {  	s1 =	srdreg.scid  }
0x8b: {  	s0 =	sand.u32 $0x1, s1  }
0x8c: {  	s17 =	sshll.u32 s0, $0xA;
	s2 =	sadd.s32 s3, s2  }
0x8d: {  	s2 =	sadd.s32 s2, s17  }
0x8e: {  	[smem:$0x3FC4] =	sst s2  }
0x8f: {  	_ = 	snop  }
0x90: {  	s2 =	sld [smem:$0x3FD0];
	(tm) =	ssettm $0x1  }
0x91: {  	s18 =	sld [smem:$0x3FFB];
	_ =	sdelay $0x3  }
0x92: {  	_ =	strace s18  }
0x93: {  	s3 =	sld [smem:$0x3FFC];
	_ =	sdelay $0x3  }
0x94: {  	_ =	strace s3  }
0x95: {  	s3 =	sld [smem:$0x3FFD];
	_ =	sdelay $0x3  }
0x96: {  	_ =	strace s3  }
0x97: {  	_ =	strace $0x8FFFFFFF  }
0x98: {  	s19 =	sld [smem:$0x3FDB];
	_ =	sdelay $0x1  }
0x99: {  	s4 =	simm.s32 $_scs_section_size  }
0x9a: {  	s5 =	simm.s32 $_size__tile_overlayer_lowered;
	s6 =	simm.s32 $_tile_overlayer_lowered  }
0x9b: {  	s22 =	simm.s32 $0x1BFF;
	s21 =	sshll.u32 s6, $0x1;
	s3 =	sadd.s32 s4, s19  }
0x9c: {  	s7 =	simm.s32 $0x0;
	s20 =	sshll.u32 s5, $0x1;
	s5 =	sadd.s32 s21, s3  }
0x9d: {  	[timem:s7], [sflag:s22] =	dma.local [hbm:s5], s20  }
0x9e: {  	_ =	swait.ge [sflag:s22], s20  }
0x9f: {  	s4 =	ssub.s32 $0x0, s20;
	[sflag:s22] =	ssyncset.done $0x0  }
0xa0: {  	[sflag:s22] =	ssyncadd.s32 s4;
	_ =	sdelay $0x1  }
0xa1: {  	s23 =	simm.s32 $0x1B8B  }
0xa2: {  	_ =	swait.ge [sflag:s23], $0x1  }
0xa3: {  	[sflag:s23] =	ssyncset.done $0x0  }
0xa4: {  	s25 =	simm.s32 $0x1B8E;
	s24 =	sld [smem:$0x3FFE];
	[sflag:s23] =	ssyncadd.s32 $0xFFFFFFFF  }
0xa5: {  	s26 =	simm.s32 $execute0_lowered;
	[smem:$0x3FD2] =	sst s25  }
0xa6: {  	s5 =	sshll.u32 s26, $0x1;
	_ =	strace $0x80000049;
	[dreg:$0x1] =	wrdreg $0xFFFFFFFF  }
0xa7: {  	s28 =	simm.s32 $_size_execute0_lowered;
	s3 =	sadd.s32 s3, s5;
	[dreg:$0x0] =	wrdreg $0x0  }
0xa8: {  	s5 =	sshll.u32 s28, $0x1;
	[dreg:$0x2] =	wrdreg s3  }
0xa9: {  	[dreg:$0x3] =	wrdreg s5  }
0xaa: {  	[dreg:$0x4] =	wrdreg $0xC0  }
0xab: {  	_ =	task [dreg:s7], $0x5FFFF  }
0xac: {  	[dreg:$0x1] =	wrdreg $0xFFFFFFFF  }
0xad: {  	[dreg:$0x0] =	wrdreg $0x60  }
0xae: {  	[dreg:$0x2] =	wrdreg s24  }
0xaf: {  	[dreg:$0x3] =	wrdreg s2  }
0xb0: {  	[dreg:$0x4] =	wrdreg $0x9  }
0xb1: {  	_ =	task.clear_ibuf [dreg:s7], $0x5FFFF;
	_ =	strace $0x90000049  }
0xb2: {  	s29 =	simm.s32 $0x9;
	_ =	strace $0x8000004B  }
0xb3: {  	_ =	swait.ge [sflag:s29], $0x1  }
0xb4: {  	[sflag:s29] =	ssyncadd.s32 $0xFFFFFFFF  }
0xb5: {  	_ =	strace $0x9000004B  }
0xb6: {  	_ =	sfence  }
0xb7: {  	s30 =	sld [smem:$0x0];
	_ =	sdelay $0x2  }
0xb8: {  	s31 =	sshll.u32 s1, $0xD;
	s1 =	sshrl.u32 s1, $0x2  }
0xb9: {  	s3 =	sand.u32 $0x4000, s31;
	s1 =	sadd.s32 s1, s30  }
0xba: {  	s0 =	sor.u32 s3, s0;
	s1 =	sshll.u32 s1, $0x11  }
0xbb: {  	s0 =	sor.u32 s1, s0  }
0xbc: {  	s0 =	sadd.s32 $0x8F2B, s0  }
0xbd: {  	[sflag:s0] =	ssyncadd.remote.s32 $0x1  }
0xbe: {  	_ =	sfence.sel $0xFFFF  }
0xbf: {  	[dreg:$0x0] =	wrdreg $0xFFFFFFFF;
	(pc) =	sbr.abs _section_cstart, $3  }
0xc0: {  	[dreg:$0x1] =	wrdreg $0xFFFFFFFF  }
0xc1: {  	_ =	task.clear_ibuf [dreg:s7], $0x2FFFF;
	_ =	strace $0x9FFFFFFF  }
0xc2: {  	(tm) =	ssettm $0x7FFFFFFF  }
0xc3: {  	_ =	shalt  }
tec
execute0_lowered:
.L_overlay_start_1:
0x0: {  	(tag) =	ssettag $0x1  }
0x1: {  	s8 =	rddreg [dreg:$0x0]  }
0x2: {  	s1 =	rddreg [dreg:$0x1]  }
0x3: {  	s0 =	rddreg [dreg:$0x2]  }
0x4: {  	s2 =	simm.s32 $0x0;
	s3 =	srdreg.scid;
	s4 =	stileid.u32  }
0x5: {  	s11 =	simm.s32 $0x4;
	s12 =	simm.s32 $0x80;
	s13 =	simm.s32 $0x100  }
0x6: {  	s14 =	simm.s32 $0x4100;
	s15 =	simm.s32 $0x1;
	s16 =	simm.s32 $0x2  }
.Ltmp0:
0x7: {  	s17 =	simm.s32 $0x3;
	s3 =	sand.u32 $0x1, s3;
	(pc) =	sbr.rel .LBB2_1-.Ltmp0, $4  }
0x8: {  	s18 =	simm.s32 $0x0;
	[smem:$0x7FF] =	sst s2;
	s9 =	ssub.s32 $0x2, s3  }
0x9: {  	s5 =	sadd.s32 $0x14E00, s8;
	s6 =	sadd.s32 $0x3C000, s8;
	s10 =	sshrl.u32 s9, $0x1  }
0xa: {  	s7 =	sadd.s32 $0xB000, s8;
	s8 =	sadd.s32 $0x1200, s8;
	s10 =	ssub.s32 s9, s10  }
0xb: {  	_ =	strace $0x8000004A;
	s9 =	sshll.u32 s4, $0x1;
	s10 =	smax.u32 s10, $0x1  }
.LBB2_7:
0xc: {  	s18 =	sadd.s32 $0x1, s18  }
0xd: {  	p0 =	sne.s32 s18, s10  }
.Ltmp1:
0xe: {  	_ = 	snop;
	(pc) =	sbr.rel @!p0 .LBB2_8-.Ltmp1, $1  }
0xf: {  	_ =	sdelay $0x3  }
.LBB2_1:
.Ltmp2:
0x10: {  	(pc) =	sbr.rel .LBB2_2-.Ltmp2, $2  }
0x11: {  	_ =	sdelay $0x2  }
0x12: {  	s19 =	simm.s32 $0x0  }
.LBB2_6:
0x13: {  	s19 =	sadd.s32 $0x1, s19  }
0x14: {  	p0 =	sne.s32 s19, $0x4F  }
.Ltmp3:
0x15: {  	_ = 	snop;
	(pc) =	sbr.rel @!p0 .LBB2_7-.Ltmp3, $1  }
0x16: {  	_ =	sdelay $0x3  }
.LBB2_2:
0x17: {  	s20 =	sshll.u32 s19, $0x5  }
0x18: {  	s20 =	sor.u32 s9, s20  }
0x19: {  	p0 =	sgt.u32 s20, $0x9C3  }
.Ltmp4:
0x1a: {  	_ = 	snop;
	(pc) =	sbr.rel @p0 .LBB2_6-.Ltmp4, $1  }
0x1b: {  	_ =	sdelay $0x3  }
0x1c: {  	s20 =	sor.u32 s3, s20  }
0x1d: {  	s21 =	sshll.u32 s20, $0x4  }
0x1e: {  	s23 =	simm.s32 $0x0;
	s22 =	sadd.s32 s7, s21  }
0x1f: {  	[tilespmem:s23], [sflag:$0x4] =	stream.linear.gather [hbm4b:s22+s23], $0x80, $0x38;
	[tilespmem:$0x8100] =	vst v63  }
0x20: {  	_ =	swait.ge [sflag:s11], $0x80  }
0x21: {  	[sflag:s11] =	ssyncset.done $0x0  }
0x22: {  	s21 =	sadd.s32 s8, s21;
	[sflag:s11] =	ssyncadd.s32 $0xFFFFFF80  }
0x23: {  	[tilespmem:s12], [sflag:$0x4] =	stream.linear.gather [hbm4b:s21+s23], $0x80, $0x38;
	[tilespmem:$0x8100] =	vst v63  }
0x24: {  	_ =	swait.ge [sflag:s11], $0x80  }
0x25: {  	[sflag:s11] =	ssyncset.done $0x0  }
0x26: {  	[sflag:s11] =	ssyncadd.s32 $0xFFFFFF80  }
0x27: {  	[tilespmem:s13], [sflag:$0x1] =	stream.indirect.gather [hbm4b:s5+s12], $0x80, s23, s12, $0xb8;
	[tilespmem:$0x8100] =	vst v63  }
0x28: {  	_ = 	snop  }
0x29: {  	[tilespmem:s14], [sflag:$0x2] =	stream.indirect.gather [hbm4b:s6+s12], $0x80, s12, s12, $0xb8;
	[tilespmem:$0x8100] =	vst v63  }
0x2a: {  	_ =	swait.ge [sflag:s15], $0x4000  }
0x2b: {  	[sflag:s15] =	ssyncset.done $0x0  }
0x2c: {  	[sflag:s15] =	ssyncadd.s32 $0xFFFFC000  }
0x2d: {  	_ =	swait.ge [sflag:s16], $0x4000  }
0x2e: {  	[sflag:s16] =	ssyncset.done $0x0  }
0x2f: {  	s21 =	simm.s32 $0x0;
	[sflag:s16] =	ssyncadd.s32 $0xFFFFC000  }
0x30: {  	v7 =	vld [tilespmem:s21+$0x4100]  }
0x31: {  	v11 =	vld [tilespmem:s21+$0x4110]  }
0x32: {  	v5 =	vld [tilespmem:s21+$0x4120]  }
0x33: {  	v4 =	vld [tilespmem:s21+$0x4130]  }
0x34: {  	v3 =	vld [tilespmem:s21+$0x4140]  }
0x35: {  	v2 =	vld [tilespmem:s21+$0x4150]  }
0x36: {  	v1 =	vld [tilespmem:s21+$0x4160]  }
0x37: {  	v0 =	vld [tilespmem:s21+$0x4170]  }
0x38: {  	v12 =	vld [tilespmem:s21+$0x100]  }
0x39: {  	v13 =	vld [tilespmem:s21+$0x110]  }
0x3a: {  	v10 =	vld [tilespmem:s21+$0x120]  }
0x3b: {  	v9 =	vld [tilespmem:s21+$0x130]  }
0x3c: {  	v8 =	vld [tilespmem:s21+$0x140]  }
0x3d: {  	v6 =	vld [tilespmem:s21+$0x150];
	v12 =	vadd.f32 v7, v12  }
0x3e: {  	s22 =	simm.s32 $0x200;
	v11 =	vadd.f32 v11, v13;
	v7 =	vld [tilespmem:s21+$0x160]  }
.LBB2_4:
0x3f: {  	s23 =	sshra.s32 s22, $0x2;
	p0 =	sne.s32 s22, $0xFE00;
	[tilespmem:s21+$0x100] =	vst v12;
	v5 =	vadd.f32 v5, v10;
	v10 =	vld [tilespmem:s21+$0x170]  }
0x40: {  	v12 =	vld [tilespmem:s23+$0x4100];
	[tilespmem:s21+$0x110] =	vst v11;
	v4 =	vadd.f32 v4, v9  }
0x41: {  	v11 =	vld [tilespmem:s23+$0x4110];
	[tilespmem:s21+$0x120] =	vst v5;
	v3 =	vadd.f32 v3, v8  }
0x42: {  	v5 =	vld [tilespmem:s23+$0x4120];
	[tilespmem:s21+$0x130] =	vst v4;
	v2 =	vadd.f32 v2, v6  }
0x43: {  	v4 =	vld [tilespmem:s23+$0x4130];
	[tilespmem:s21+$0x140] =	vst v3;
	v1 =	vadd.f32 v1, v7  }
0x44: {  	v3 =	vld [tilespmem:s23+$0x4140];
	[tilespmem:s21+$0x150] =	vst v2;
	v0 =	vadd.f32 v0, v10  }
0x45: {  	v2 =	vld [tilespmem:s23+$0x4150];
	[tilespmem:s21+$0x160] =	vst v1  }
0x46: {  	v1 =	vld [tilespmem:s23+$0x4160];
	[tilespmem:s21+$0x170] =	vst v0;
	s21 =	smov.u32 s23  }
0x47: {  	v0 =	vld [tilespmem:s21+$0x4170]  }
0x48: {  	v6 =	vld [tilespmem:s21+$0x100]  }
0x49: {  	v7 =	vld [tilespmem:s21+$0x110]  }
.Ltmp5:
0x4a: {  	v10 =	vld [tilespmem:s21+$0x120];
	(pc) =	sbr.rel @p0 .LBB2_4-.Ltmp5, $4  }
0x4b: {  	v9 =	vld [tilespmem:s21+$0x130]  }
0x4c: {  	v8 =	vld [tilespmem:s21+$0x140]  }
0x4d: {  	v12 =	vadd.f32 v12, v6;
	v6 =	vld [tilespmem:s21+$0x150]  }
0x4e: {  	s22 =	sadd.s32 $0x200, s22;
	v11 =	vadd.f32 v11, v7;
	v7 =	vld [tilespmem:s21+$0x160]  }
0x4f: {  	[tilespmem:s21+$0x100] =	vst v12;
	v5 =	vadd.f32 v5, v10;
	v63 =	vld [tilespmem:s21+$0x170]  }
0x50: {  	[tilespmem:s21+$0x110] =	vst v11;
	v4 =	vadd.f32 v4, v9  }
0x51: {  	[tilespmem:s21+$0x120] =	vst v5;
	v3 =	vadd.f32 v3, v8  }
0x52: {  	[tilespmem:s21+$0x130] =	vst v4;
	v2 =	vadd.f32 v2, v6  }
0x53: {  	[tilespmem:s21+$0x140] =	vst v3;
	v1 =	vadd.f32 v1, v7  }
0x54: {  	[tilespmem:s21+$0x150] =	vst v2;
	v0 =	vadd.f32 v0, v63  }
0x55: {  	s20 =	sshll.u32 s20, $0xB;
	[tilespmem:s21+$0x160] =	vst v1  }
.Ltmp6:
0x56: {  	s20 =	sadd.s32 s1, s20;
	[tilespmem:s21+$0x170] =	vst v0;
	(pc) =	sbr.rel .LBB2_6-.Ltmp6, $4  }
0x57: {  	[hbm4b:s20+s2] =	stream.linear.scatter [tilespmem:s13], [sflag:$0x3], $0x4000, $0x38;
	[tilespmem:$0x8100] =	vst v63  }
0x58: {  	_ =	swait.ge [sflag:s17], $0x4000  }
0x59: {  	[sflag:s17] =	ssyncset.done $0x0  }
0x5a: {  	[sflag:s17] =	ssyncadd.s32 $0xFFFFC000  }
.LBB2_8:
0x5b: {  	_ =	sfence.sel $0x180000  }
0x5c: {  	[bflag:$0x0] =	sbarrier.arrive $0xFFFF  }
0x5d: {  	p0 =	sne.s32 s4, $0x0;
	_ =	strace $0x9000004A  }
0x5e: {  	s0 =	sadd.s32 @!p0 $0x100000, s0;
	[bflag:$0x2] =	sbarrier.arrive $0xFFFF  }
0x5f: {  	[sflag:s0] =	ssyncadd.tile.s32 @!p0 $0x1;
	_ =	shalt  }
.Lfunc_end2:
_tile_overlayer_lowered:
.L_overlay_start_2:
0x60: {  	(tag) =	ssettag $0x2  }
0x61: {  	s0 =	rddreg [dreg:$0x0];
	s2 =	stileid.u32  }
0x62: {  	s1 =	rddreg [dreg:$0x1];
	p0 =	sne.s32 s2, $0x0  }
0x63: {  	s3 =	rddreg [dreg:$0x2];
	[bflag:$0x3] =	sbarrier.arrive $0xFFFF;
	s2 =	simm.s32 @!p0 $0x1C03  }
0x64: {  	[timem:s3], [sflag:s2] =	dma.local @!p0 [hbm:s0], s1  }
0x65: {  	s0 =	simm.s32 @!p0 $0x3  }
0x66: {  	_ =	swait.ge @!p0 [sflag:s0], s1  }
0x67: {  	s1 =	ssub.s32 @!p0 $0x0, s1;
	[sflag:s0] =	ssyncset.done @!p0 $0x0  }
0x68: {  	[sflag:s0] =	ssyncadd.s32 @!p0 s1  }
0x69: {  	[bflag:$0x3] =	sbarrier.arrive $0xFFFF  }
0x6a: {  	_ =	shalt  }

</sc_bundles>
